<compile_context>
chip_gen: v7x
topology: tpu7x:2x2x1
jax: 0.10.2.dev20260603
libtpu: 0.0.44.dev20260713+nightly
codegen_flags: <defaults>
</compile_context>

<pallas_src>
import functools

import jax
import jax.numpy as jnp
from jax import lax
from jax.experimental import pallas as pl
from jax.experimental.pallas import tpu as pltpu, tpu_sc as plsc

_N_USER = 6000
_N_ITEM = 4000
_N = _N_USER + _N_ITEM
_D = 128
_E = 320000

_NC = 2
_NS = 16
_NW = _NC * _NS
_EPW = _E // _NW
_C = 80
_CHUNKS = _EPW // _C
_NPAD = 10240
_RPT = _NPAD // _NS


_mesh = plsc.VectorSubcoreMesh(
    core_axis_name="c", subcore_axis_name="s", num_cores=_NC, num_subcores=_NS
)


@functools.partial(
    pl.kernel,
    out_type=(
        jax.ShapeDtypeStruct((_NC * _NPAD, _D), jnp.float32),
        jax.ShapeDtypeStruct((_NC * _NPAD,), jnp.float32),
    ),
    mesh=_mesh,
    scratch_types=[
        pltpu.VMEM((_CHUNKS, _C), jnp.int32),
        [pltpu.VMEM((_C,), jnp.int32) for _ in range(3)],
        [pltpu.VMEM((_C, _D), jnp.float32) for _ in range(3)],
        pltpu.VMEM((_C,), jnp.float32),
        pltpu.VMEM_SHARED((_NPAD, _D), jnp.float32),
        pltpu.VMEM_SHARED((_NPAD,), jnp.float32),
        [pltpu.SemaphoreType.DMA for _ in range(3)],
        [pltpu.SemaphoreType.DMA for _ in range(3)],
    ],
)
def _sc_agg(y_hbm, src_hbm, dst_hbm, zrows_hbm, zdeg_hbm,
            acc_out, deg_out,
            dst_v, srcb, rowsb, ones_v, acc_sh, deg_sh, gsem, slsem):
    c = lax.axis_index("c")
    s = lax.axis_index("s")
    w = c * _NS + s

    pltpu.sync_copy(dst_hbm.at[w], dst_v)
    for i in range(_C // 16):
        ones_v[pl.ds(i * 16, 16)] = jnp.ones((16,), jnp.float32)

    sl = pl.ds(pl.multiple_of(s * _RPT, _RPT), _RPT)
    pltpu.sync_copy(zrows_hbm, acc_sh.at[sl])
    pltpu.sync_copy(zdeg_hbm, deg_sh.at[sl])
    plsc.subcore_barrier()

    def _srcld(k, srcb, sem):
        return pltpu.make_async_copy(
            src_hbm.at[pl.ds(pl.multiple_of(w * _EPW + k * _C, _C), _C)],
            srcb, sem)

    def _gather(srcb, rows, sem):
        return pltpu.make_async_copy(y_hbm.at[srcb], rows, sem)

    def _scatter(k, a):
        pltpu.sync_copy(rowsb[a], acc_sh.at[dst_v.at[k]], add=True)
        pltpu.sync_copy(ones_v, deg_sh.at[dst_v.at[k]], add=True)

    def _third(k, a, b, c2, last):
        _srcld(k + 2, srcb[c2], slsem[c2]).wait()
        _gather(srcb[a], rowsb[a], gsem[a]).wait()
        _gather(srcb[c2], rowsb[c2], gsem[c2]).start()
        if last:
            @pl.when(k + 3 < _CHUNKS)
            def _():
                _srcld(k + 3, srcb[a], slsem[a]).start()
        else:
            _srcld(k + 3, srcb[a], slsem[a]).start()
        _scatter(k, a)

    _srcld(0, srcb[0], slsem[0]).start()
    _srcld(1, srcb[1], slsem[1]).start()
    _srcld(2, srcb[2], slsem[2]).start()
    _srcld(0, srcb[0], slsem[0]).wait()
    _gather(srcb[0], rowsb[0], gsem[0]).start()
    _srcld(1, srcb[1], slsem[1]).wait()
    _gather(srcb[1], rowsb[1], gsem[1]).start()

    def body(j, carry):
        _third(3 * j, 0, 1, 2, False)
        _third(3 * j + 1, 1, 2, 0, False)
        _third(3 * j + 2, 2, 0, 1, True)
        return carry

    lax.fori_loop(0, (_CHUNKS - 2) // 3, body, 0)
    ka = _CHUNKS - 2
    kb = _CHUNKS - 1
    _gather(srcb[0], rowsb[0], gsem[0]).wait()
    _scatter(ka, 0)
    _gather(srcb[1], rowsb[1], gsem[1]).wait()
    _scatter(kb, 1)

    plsc.subcore_barrier()
    osl = pl.ds(pl.multiple_of(c * _NPAD + s * _RPT, _RPT), _RPT)
    pltpu.sync_copy(acc_sh.at[sl], acc_out.at[osl])
    pltpu.sync_copy(deg_sh.at[sl], deg_out.at[osl])


def _post_body(xut_ref, xit_ref, acc_ref, deg_ref, w_ref, td_ref,
               xu_out_ref, xi_out_ref):
    xu = xut_ref[...]
    xi = xit_ref[...]
    nsq = jnp.maximum(jnp.max(jnp.sum(xu * xu, axis=1)),
                      jnp.max(jnp.sum(xi * xi, axis=1)))
    inv = lax.rsqrt(nsq)
    td = td_ref[0, 0]
    agg = (acc_ref[0] + acc_ref[1])[:_N]
    deg = (deg_ref[0] + deg_ref[1])[:_N]
    scale = lax.rsqrt(deg + 1.0) * inv
    md = jnp.dot(agg, w_ref[...], preferred_element_type=jnp.float32)
    upd = jnp.tanh(md * scale)
    xu_out_ref[...] = xu * inv + td * upd[:_N_USER]
    xi_out_ref[...] = xi * inv + td * upd[_N_USER:]


_post = pl.pallas_call(
    _post_body,
    in_specs=[
        pl.BlockSpec(memory_space=pltpu.VMEM),
        pl.BlockSpec(memory_space=pltpu.VMEM),
        pl.BlockSpec(memory_space=pltpu.VMEM),
        pl.BlockSpec(memory_space=pltpu.VMEM),
        pl.BlockSpec(memory_space=pltpu.VMEM),
        pl.BlockSpec(memory_space=pltpu.SMEM),
    ],
    out_shape=(
        jax.ShapeDtypeStruct((_N_USER, _D), jnp.float32),
        jax.ShapeDtypeStruct((_N_ITEM, _D), jnp.float32),
    ),
)


def kernel(adj_his, t_diff, xu_t_plus, xi_t_plus, xu_embed, xi_embed, W):
    adj = adj_his.astype(jnp.int32)
    src = adj[0]
    dst = adj[1].reshape(_NW, _CHUNKS, _C)
    xe = jnp.concatenate([xu_embed, xi_embed], axis=0)

    zrows = jnp.zeros((_RPT, _D), jnp.float32)
    zdeg = jnp.zeros((_RPT,), jnp.float32)
    acc, deg = _sc_agg(xe, src, dst, zrows, zdeg)

    return _post(xu_t_plus, xi_t_plus, acc.reshape(_NC, _NPAD, _D),
                 deg.reshape(_NC, _NPAD, 1), W, t_diff.reshape(1, 1))

# --- scband reference (transcript-rebuilt; emitter-appended) ---
"""Pipeline reference for scband-evolution-module-12876311953660 (READ-ONLY COPY).

The authoritative reference and input builder live on the scoring server;
editing this copy changes nothing except your own understanding.
"""

import jax, jax.numpy as jnp
import numpy as np

N_USER = 6000
N_ITEM = 4000
N = N_USER + N_ITEM
D = 128
E = 320000


def setup_inputs(seed: int = 0) -> dict:
    key = jax.random.key(seed)
    ks = jax.random.split(key, 7)
    adj_his = jax.random.randint(ks[0], (2, E), 0, N, dtype=jnp.int64)
    t_diff = jax.random.uniform(ks[1], (1,), dtype=jnp.float32)
    xu_t_plus = jax.random.normal(ks[2], (N_USER, D), dtype=jnp.float32)
    xi_t_plus = jax.random.normal(ks[3], (N_ITEM, D), dtype=jnp.float32)
    xu_embed = jax.random.normal(ks[4], (N_USER, D), dtype=jnp.float32)
    xi_embed = jax.random.normal(ks[5], (N_ITEM, D), dtype=jnp.float32)
    # CGNN learned weight (propagation transform)
    W = jax.random.normal(ks[6], (D, D), dtype=jnp.float32) * 0.05
    return {
        "adj_his": adj_his,
        "t_diff": t_diff,
        "xu_t_plus": xu_t_plus,
        "xi_t_plus": xi_t_plus,
        "xu_embed": xu_embed,
        "xi_embed": xi_embed,
        "W": W,
    }


def _cgnn(x_embed, x_t_plus, t_diff, adj_his, W):
    # Continuous GNN step: degree-normalized neighbor aggregation of x_embed,
    # transformed and scaled by elapsed time t_diff, added to the state x_t_plus.
    src = adj_his[0]
    dst = adj_his[1]
    deg = jnp.zeros((N,), dtype=jnp.float32).at[dst].add(1.0)
    inv_norm = 1.0 / jnp.sqrt(deg + 1.0)
    msg = jnp.take(x_embed, src, axis=0)                      # gather [E, D]
    agg = jax.ops.segment_sum(msg, dst, num_segments=N)       # scatter-add [N, D]
    agg = agg * inv_norm[:, None]
    x_gnn = x_t_plus + t_diff[0] * jnp.tanh(agg @ W)
    return x_gnn


def reference(adj_his, t_diff, xu_t_plus, xi_t_plus, xu_embed, xi_embed, W):
    x_t_plus = jnp.concatenate([xu_t_plus, xi_t_plus], axis=0)
    x_embed = jnp.concatenate([xu_embed, xi_embed], axis=0)
    norm_ = jnp.linalg.norm(x_t_plus, axis=1).max()
    x_t_plus = x_t_plus / norm_
    x_embed = x_embed / norm_
    x_gnn = _cgnn(x_embed, x_t_plus, t_diff, adj_his, W)
    xu_t_minus = x_gnn[:N_USER]
    xi_t_minus = x_gnn[N_USER:]
    return (xu_t_minus, xi_t_minus)

if __name__ == "__main__":
    import jax
    _d = setup_inputs()
    print(jax.jit(kernel)(*tuple(_d.values())))

</pallas_src>

<mosaic_0001>
#map = affine_map<(d0, d1) -> (0, 0)>
#map1 = affine_map<(d0, d1) -> (0)>
#map2 = affine_map<(d0, d1) -> (0, 0, 0)>
module attributes {stable_mosaic.version = 14 : i64} {
  func.func @_sc_agg(%arg0: i32, %arg1: i32, %arg2: memref<10000x128xf32, #tpu.memory_space<hbm>>, %arg3: memref<320000xi32, #tpu.memory_space<hbm>>, %arg4: memref<32x125x80xi32, #tpu.memory_space<hbm>>, %arg5: memref<640x128xf32, #tpu.memory_space<hbm>>, %arg6: memref<640xf32, #tpu.memory_space<hbm>>, %arg7: memref<20480x128xf32, #tpu.memory_space<hbm>>, %arg8: memref<20480xf32, #tpu.memory_space<hbm>>, %arg9: memref<125x80xi32, #tpu.memory_space<vmem>>, %arg10: memref<80xi32, #tpu.memory_space<vmem>>, %arg11: memref<80xi32, #tpu.memory_space<vmem>>, %arg12: memref<80xi32, #tpu.memory_space<vmem>>, %arg13: memref<80x128xf32, #tpu.memory_space<vmem>>, %arg14: memref<80x128xf32, #tpu.memory_space<vmem>>, %arg15: memref<80x128xf32, #tpu.memory_space<vmem>>, %arg16: memref<80xf32, #tpu.memory_space<vmem>>, %arg17: memref<10240x128xf32, #tpu.memory_space<vmem_shared>>, %arg18: memref<10240xf32, #tpu.memory_space<vmem_shared>>, %arg19: memref<!tpu.dma_semaphore, #tpu.memory_space<semaphore_mem>>, %arg20: memref<!tpu.dma_semaphore, #tpu.memory_space<semaphore_mem>>, %arg21: memref<!tpu.dma_semaphore, #tpu.memory_space<semaphore_mem>>, %arg22: memref<!tpu.dma_semaphore, #tpu.memory_space<semaphore_mem>>, %arg23: memref<!tpu.dma_semaphore, #tpu.memory_space<semaphore_mem>>, %arg24: memref<!tpu.dma_semaphore, #tpu.memory_space<semaphore_mem>>) attributes {dimension_semantics = [#tpu.dimension_semantics<core_parallel>, #tpu.dimension_semantics<subcore_parallel>], iteration_bounds = array<i64: 2, 16>, scalar_prefetch = 0 : i64, scratch_operands = 16 : i64, tpu.core_type = #tpu.core_type<sc_vector_subcore>, window_params = [{transform_indices = #map}, {transform_indices = #map1}, {transform_indices = #map2}, {transform_indices = #map}, {transform_indices = #map1}, {transform_indices = #map}, {transform_indices = #map1}]} {
    %mul3A = arith.constant 16 : i32
    %mul3A_0 = arith.muli %arg0, %mul3A : i32
    %add3A = arith.addi %mul3A_0, %arg1 : i32
    "tpu.region"() ({
      %run_scoped3A_91 = tpu.sem_alloc : memref<!tpu.dma_semaphore, #tpu.memory_space<semaphore_mem>>
      %dma_start3A_92 = arith.constant 0 : i32
      %dma_start3A_93 = arith.constant 0 : i32
      %dma_start3A_94 = tpu.memref_slice %arg4[%add3A, %dma_start3A_92, %dma_start3A_93] : memref<32x125x80xi32, #tpu.memory_space<hbm>> -> memref<1x125x80xi32, #tpu.memory_space<hbm>>
      %dma_start3A_95 = tpu.memref_squeeze %dma_start3A_94 : memref<1x125x80xi32, #tpu.memory_space<hbm>> -> memref<125x80xi32, #tpu.memory_space<hbm>>
      %dma_start3A_96 = arith.constant 0 : i32
      %dma_start3A_97 = arith.constant 0 : i32
      %dma_start3A_98 = tpu.memref_slice %arg4[%add3A, %dma_start3A_96, %dma_start3A_97] : memref<32x125x80xi32, #tpu.memory_space<hbm>> -> memref<1x125x80xi32, #tpu.memory_space<hbm>>
      %dma_start3A_99 = tpu.memref_squeeze %dma_start3A_98 : memref<1x125x80xi32, #tpu.memory_space<hbm>> -> memref<125x80xi32, #tpu.memory_space<hbm>>
      tpu.enqueue_dma source(%dma_start3A_99 : memref<125x80xi32, #tpu.memory_space<hbm>>) target(%arg9 : memref<125x80xi32, #tpu.memory_space<vmem>>) target_semaphore(%run_scoped3A_91 : memref<!tpu.dma_semaphore, #tpu.memory_space<semaphore_mem>>)
      %dma_wait3A_100 = arith.constant 0 : i32
      %dma_wait3A_101 = arith.constant 0 : i32
      %dma_wait3A_102 = tpu.memref_slice %arg4[%add3A, %dma_wait3A_100, %dma_wait3A_101] : memref<32x125x80xi32, #tpu.memory_space<hbm>> -> memref<1x125x80xi32, #tpu.memory_space<hbm>>
      %dma_wait3A_103 = tpu.memref_squeeze %dma_wait3A_102 : memref<1x125x80xi32, #tpu.memory_space<hbm>> -> memref<125x80xi32, #tpu.memory_space<hbm>>
      %dma_wait3A_104 = arith.constant 0 : i32
      %dma_wait3A_105 = arith.constant 0 : i32
      %dma_wait3A_106 = tpu.memref_slice %arg4[%add3A, %dma_wait3A_104, %dma_wait3A_105] : memref<32x125x80xi32, #tpu.memory_space<hbm>> -> memref<1x125x80xi32, #tpu.memory_space<hbm>>
      %dma_wait3A_107 = tpu.memref_squeeze %dma_wait3A_106 : memref<1x125x80xi32, #tpu.memory_space<hbm>> -> memref<125x80xi32, #tpu.memory_space<hbm>>
      tpu.wait_dma2 semaphore(%run_scoped3A_91 : memref<!tpu.dma_semaphore, #tpu.memory_space<semaphore_mem>>) src(%dma_wait3A_107 : memref<125x80xi32, #tpu.memory_space<hbm>>) dst(%arg9 : memref<125x80xi32, #tpu.memory_space<vmem>>)
      tpu.yield
    }) : () -> ()
    %broadcast_in_dim3A = arith.constant 1.000000e+00 : f32
    %broadcast_in_dim3A_1 = vector.broadcast %broadcast_in_dim3A : f32 to vector<16xf32>
    %swap3A = arith.constant 0 : index
    %swap3A_2 = tpu.vector_load %arg16[%swap3A] {strides = array<i32>} : memref<80xf32, #tpu.memory_space<vmem>>, vector<16xf32>,
    %swap3A_3 = vector.shape_cast %swap3A_2 : vector<16xf32> to vector<16xf32>
    %swap3A_4 = vector.shape_cast %broadcast_in_dim3A_1 : vector<16xf32> to vector<16xf32>
    tpu.vector_store %arg16[%swap3A], %swap3A_4 {strides = array<i32>} : memref<80xf32, #tpu.memory_space<vmem>>, vector<16xf32>,
    %broadcast_in_dim3A_5 = arith.constant 1.000000e+00 : f32
    %broadcast_in_dim3A_6 = vector.broadcast %broadcast_in_dim3A_5 : f32 to vector<16xf32>
    %swap3A_7 = arith.constant 16 : index
    %swap3A_8 = tpu.vector_load %arg16[%swap3A_7] {strides = array<i32>} : memref<80xf32, #tpu.memory_space<vmem>>, vector<16xf32>,
    %swap3A_9 = vector.shape_cast %swap3A_8 : vector<16xf32> to vector<16xf32>
    %swap3A_10 = vector.shape_cast %broadcast_in_dim3A_6 : vector<16xf32> to vector<16xf32>
    tpu.vector_store %arg16[%swap3A_7], %swap3A_10 {strides = array<i32>} : memref<80xf32, #tpu.memory_space<vmem>>, vector<16xf32>,
    %broadcast_in_dim3A_11 = arith.constant 1.000000e+00 : f32
    %broadcast_in_dim3A_12 = vector.broadcast %broadcast_in_dim3A_11 : f32 to vector<16xf32>
    %swap3A_13 = arith.constant 32 : index
    %swap3A_14 = tpu.vector_load %arg16[%swap3A_13] {strides = array<i32>} : memref<80xf32, #tpu.memory_space<vmem>>, vector<16xf32>,
    %swap3A_15 = vector.shape_cast %swap3A_14 : vector<16xf32> to vector<16xf32>
    %swap3A_16 = vector.shape_cast %broadcast_in_dim3A_12 : vector<16xf32> to vector<16xf32>
    tpu.vector_store %arg16[%swap3A_13], %swap3A_16 {strides = array<i32>} : memref<80xf32, #tpu.memory_space<vmem>>, vector<16xf32>,
    %broadcast_in_dim3A_17 = arith.constant 1.000000e+00 : f32
    %broadcast_in_dim3A_18 = vector.broadcast %broadcast_in_dim3A_17 : f32 to vector<16xf32>
    %swap3A_19 = arith.constant 48 : index
    %swap3A_20 = tpu.vector_load %arg16[%swap3A_19] {strides = array<i32>} : memref<80xf32, #tpu.memory_space<vmem>>, vector<16xf32>,
    %swap3A_21 = vector.shape_cast %swap3A_20 : vector<16xf32> to vector<16xf32>
    %swap3A_22 = vector.shape_cast %broadcast_in_dim3A_18 : vector<16xf32> to vector<16xf32>
    tpu.vector_store %arg16[%swap3A_19], %swap3A_22 {strides = array<i32>} : memref<80xf32, #tpu.memory_space<vmem>>, vector<16xf32>,
    %broadcast_in_dim3A_23 = arith.constant 1.000000e+00 : f32
    %broadcast_in_dim3A_24 = vector.broadcast %broadcast_in_dim3A_23 : f32 to vector<16xf32>
    %swap3A_25 = arith.constant 64 : index
    %swap3A_26 = tpu.vector_load %arg16[%swap3A_25] {strides = array<i32>} : memref<80xf32, #tpu.memory_space<vmem>>, vector<16xf32>,
    %swap3A_27 = vector.shape_cast %swap3A_26 : vector<16xf32> to vector<16xf32>
    %swap3A_28 = vector.shape_cast %broadcast_in_dim3A_24 : vector<16xf32> to vector<16xf32>
    tpu.vector_store %arg16[%swap3A_25], %swap3A_28 {strides = array<i32>} : memref<80xf32, #tpu.memory_space<vmem>>, vector<16xf32>,
    %mul3A_29 = arith.constant 640 : i32
    %mul3A_30 = arith.muli %arg1, %mul3A_29 : i32
    %multiple_of3A = tpu.assume_multiple %mul3A_30, 640 : i32
    "tpu.region"() ({
      %run_scoped3A_91 = tpu.sem_alloc : memref<!tpu.dma_semaphore, #tpu.memory_space<semaphore_mem>>
      %dma_start3A_92 = arith.constant 0 : i32
      %dma_start3A_93 = tpu.memref_slice %arg17[%multiple_of3A, %dma_start3A_92] : memref<10240x128xf32, #tpu.memory_space<vmem_shared>> -> memref<640x128xf32, #tpu.memory_space<vmem_shared>>
      tpu.enqueue_dma source(%arg5 : memref<640x128xf32, #tpu.memory_space<hbm>>) target(%dma_start3A_93 : memref<640x128xf32, #tpu.memory_space<vmem_shared>>) target_semaphore(%run_scoped3A_91 : memref<!tpu.dma_semaphore, #tpu.memory_space<semaphore_mem>>)
      %dma_wait3A_94 = arith.constant 0 : i32
      %dma_wait3A_95 = tpu.memref_slice %arg17[%multiple_of3A, %dma_wait3A_94] : memref<10240x128xf32, #tpu.memory_space<vmem_shared>> -> memref<640x128xf32, #tpu.memory_space<vmem_shared>>
      tpu.wait_dma2 semaphore(%run_scoped3A_91 : memref<!tpu.dma_semaphore, #tpu.memory_space<semaphore_mem>>) src(%arg5 : memref<640x128xf32, #tpu.memory_space<hbm>>) dst(%dma_wait3A_95 : memref<640x128xf32, #tpu.memory_space<vmem_shared>>)
      tpu.yield
    }) : () -> ()
    "tpu.region"() ({
      %run_scoped3A_91 = tpu.sem_alloc : memref<!tpu.dma_semaphore, #tpu.memory_space<semaphore_mem>>
      %dma_start3A_92 = tpu.memref_slice %arg18[%multiple_of3A] : memref<10240xf32, #tpu.memory_space<vmem_shared>> -> memref<640xf32, #tpu.memory_space<vmem_shared>>
      tpu.enqueue_dma source(%arg6 : memref<640xf32, #tpu.memory_space<hbm>>) target(%dma_start3A_92 : memref<640xf32, #tpu.memory_space<vmem_shared>>) target_semaphore(%run_scoped3A_91 : memref<!tpu.dma_semaphore, #tpu.memory_space<semaphore_mem>>)
      %dma_wait3A_93 = tpu.memref_slice %arg18[%multiple_of3A] : memref<10240xf32, #tpu.memory_space<vmem_shared>> -> memref<640xf32, #tpu.memory_space<vmem_shared>>
      tpu.wait_dma2 semaphore(%run_scoped3A_91 : memref<!tpu.dma_semaphore, #tpu.memory_space<semaphore_mem>>) src(%arg6 : memref<640xf32, #tpu.memory_space<hbm>>) dst(%dma_wait3A_93 : memref<640xf32, #tpu.memory_space<vmem_shared>>)
      tpu.yield
    }) : () -> ()
    %barrier3A = arith.constant 0 : index
    tpu.barrier barrier_id(%barrier3A)
    %mul3A_31 = arith.constant 10000 : i32
    %mul3A_32 = arith.muli %add3A, %mul3A_31 : i32
    %add3A_33 = arith.constant 0 : i32
    %add3A_34 = arith.addi %mul3A_32, %add3A_33 : i32
    %multiple_of3A_35 = tpu.assume_multiple %add3A_34, 80 : i32
    %dma_start3A = tpu.memref_slice %arg3[%multiple_of3A_35] : memref<320000xi32, #tpu.memory_space<hbm>> -> memref<80xi32, #tpu.memory_space<hbm>>
    %dma_start3A_36 = tpu.memref_slice %arg3[%multiple_of3A_35] : memref<320000xi32, #tpu.memory_space<hbm>> -> memref<80xi32, #tpu.memory_space<hbm>>
    tpu.enqueue_dma source(%dma_start3A_36 : memref<80xi32, #tpu.memory_space<hbm>>) target(%arg10 : memref<80xi32, #tpu.memory_space<vmem>>) target_semaphore(%arg22 : memref<!tpu.dma_semaphore, #tpu.memory_space<semaphore_mem>>)
    %mul3A_37 = arith.constant 10000 : i32
    %mul3A_38 = arith.muli %add3A, %mul3A_37 : i32
    %add3A_39 = arith.constant 80 : i32
    %add3A_40 = arith.addi %mul3A_38, %add3A_39 : i32
    %multiple_of3A_41 = tpu.assume_multiple %add3A_40, 80 : i32
    %dma_start3A_42 = tpu.memref_slice %arg3[%multiple_of3A_41] : memref<320000xi32, #tpu.memory_space<hbm>> -> memref<80xi32, #tpu.memory_space<hbm>>
    %dma_start3A_43 = tpu.memref_slice %arg3[%multiple_of3A_41] : memref<320000xi32, #tpu.memory_space<hbm>> -> memref<80xi32, #tpu.memory_space<hbm>>
    tpu.enqueue_dma source(%dma_start3A_43 : memref<80xi32, #tpu.memory_space<hbm>>) target(%arg11 : memref<80xi32, #tpu.memory_space<vmem>>) target_semaphore(%arg23 : memref<!tpu.dma_semaphore, #tpu.memory_space<semaphore_mem>>)
    %mul3A_44 = arith.constant 10000 : i32
    %mul3A_45 = arith.muli %add3A, %mul3A_44 : i32
    %add3A_46 = arith.constant 160 : i32
    %add3A_47 = arith.addi %mul3A_45, %add3A_46 : i32
    %multiple_of3A_48 = tpu.assume_multiple %add3A_47, 80 : i32
    %dma_start3A_49 = tpu.memref_slice %arg3[%multiple_of3A_48] : memref<320000xi32, #tpu.memory_space<hbm>> -> memref<80xi32, #tpu.memory_space<hbm>>
    %dma_start3A_50 = tpu.memref_slice %arg3[%multiple_of3A_48] : memref<320000xi32, #tpu.memory_space<hbm>> -> memref<80xi32, #tpu.memory_space<hbm>>
    tpu.enqueue_dma source(%dma_start3A_50 : memref<80xi32, #tpu.memory_space<hbm>>) target(%arg12 : memref<80xi32, #tpu.memory_space<vmem>>) target_semaphore(%arg24 : memref<!tpu.dma_semaphore, #tpu.memory_space<semaphore_mem>>)
    %mul3A_51 = arith.constant 10000 : i32
    %mul3A_52 = arith.muli %add3A, %mul3A_51 : i32
    %add3A_53 = arith.constant 0 : i32
    %add3A_54 = arith.addi %mul3A_52, %add3A_53 : i32
    %multiple_of3A_55 = tpu.assume_multiple %add3A_54, 80 : i32
    %dma_wait3A = tpu.memref_slice %arg3[%multiple_of3A_55] : memref<320000xi32, #tpu.memory_space<hbm>> -> memref<80xi32, #tpu.memory_space<hbm>>
    %dma_wait3A_56 = tpu.memref_slice %arg3[%multiple_of3A_55] : memref<320000xi32, #tpu.memory_space<hbm>> -> memref<80xi32, #tpu.memory_space<hbm>>
    tpu.wait_dma2 semaphore(%arg22 : memref<!tpu.dma_semaphore, #tpu.memory_space<semaphore_mem>>) src(%dma_wait3A_56 : memref<80xi32, #tpu.memory_space<hbm>>) dst(%arg10 : memref<80xi32, #tpu.memory_space<vmem>>)
    %dma_start3A_57 = arith.constant 0 : i32
    %dma_start3A_58 = arith.constant 0 : i32
    %dma_start3A_59 = tpu.memref_slice %arg2[%dma_start3A_57, %dma_start3A_58] : memref<10000x128xf32, #tpu.memory_space<hbm>> -> memref<10000x128xf32, #tpu.memory_space<hbm>>
    tpu.enqueue_indirect_dma source(%dma_start3A_59 : memref<10000x128xf32, #tpu.memory_space<hbm>>) target(%arg13 : memref<80x128xf32, #tpu.memory_space<vmem>>) offsets(%arg10 : memref<80xi32, #tpu.memory_space<vmem>>) semaphore(%arg19 : memref<!tpu.dma_semaphore, #tpu.memory_space<semaphore_mem>>)
    %mul3A_60 = arith.constant 10000 : i32
    %mul3A_61 = arith.muli %add3A, %mul3A_60 : i32
    %add3A_62 = arith.constant 80 : i32
    %add3A_63 = arith.addi %mul3A_61, %add3A_62 : i32
    %multiple_of3A_64 = tpu.assume_multiple %add3A_63, 80 : i32
    %dma_wait3A_65 = tpu.memref_slice %arg3[%multiple_of3A_64] : memref<320000xi32, #tpu.memory_space<hbm>> -> memref<80xi32, #tpu.memory_space<hbm>>
    %dma_wait3A_66 = tpu.memref_slice %arg3[%multiple_of3A_64] : memref<320000xi32, #tpu.memory_space<hbm>> -> memref<80xi32, #tpu.memory_space<hbm>>
    tpu.wait_dma2 semaphore(%arg23 : memref<!tpu.dma_semaphore, #tpu.memory_space<semaphore_mem>>) src(%dma_wait3A_66 : memref<80xi32, #tpu.memory_space<hbm>>) dst(%arg11 : memref<80xi32, #tpu.memory_space<vmem>>)
    %dma_start3A_67 = arith.constant 0 : i32
    %dma_start3A_68 = arith.constant 0 : i32
    %dma_start3A_69 = tpu.memref_slice %arg2[%dma_start3A_67, %dma_start3A_68] : memref<10000x128xf32, #tpu.memory_space<hbm>> -> memref<10000x128xf32, #tpu.memory_space<hbm>>
    tpu.enqueue_indirect_dma source(%dma_start3A_69 : memref<10000x128xf32, #tpu.memory_space<hbm>>) target(%arg14 : memref<80x128xf32, #tpu.memory_space<vmem>>) offsets(%arg11 : memref<80xi32, #tpu.memory_space<vmem>>) semaphore(%arg20 : memref<!tpu.dma_semaphore, #tpu.memory_space<semaphore_mem>>)
    %scan3A = arith.constant 0 : i32
    %scan3A_70 = arith.constant 0 : i32
    %scan3A_71 = arith.constant 41 : i32
    %scan3A_72 = arith.addi %scan3A_70, %scan3A_71 : i32
    %scan3A_73 = arith.constant 1 : i32
    scf.for %scan3A_91 = %scan3A_70 to %scan3A_72 step %scan3A_73  : i32 {
      %mul3A_92 = arith.constant 3 : i32
      %mul3A_93 = arith.muli %mul3A_92, %scan3A_91 : i32
      %add3A_94 = arith.constant 2 : i32
      %add3A_95 = arith.addi %mul3A_93, %add3A_94 : i32
      %mul3A_96 = arith.constant 10000 : i32
      %mul3A_97 = arith.muli %add3A, %mul3A_96 : i32
      %mul3A_98 = arith.constant 80 : i32
      %mul3A_99 = arith.muli %add3A_95, %mul3A_98 : i32
      %add3A_100 = arith.addi %mul3A_97, %mul3A_99 : i32
      %multiple_of3A_101 = tpu.assume_multiple %add3A_100, 80 : i32
      %dma_wait3A_102 = tpu.memref_slice %arg3[%multiple_of3A_101] : memref<320000xi32, #tpu.memory_space<hbm>> -> memref<80xi32, #tpu.memory_space<hbm>>
      %dma_wait3A_103 = tpu.memref_slice %arg3[%multiple_of3A_101] : memref<320000xi32, #tpu.memory_space<hbm>> -> memref<80xi32, #tpu.memory_space<hbm>>
      tpu.wait_dma2 semaphore(%arg24 : memref<!tpu.dma_semaphore, #tpu.memory_space<semaphore_mem>>) src(%dma_wait3A_103 : memref<80xi32, #tpu.memory_space<hbm>>) dst(%arg12 : memref<80xi32, #tpu.memory_space<vmem>>)
      %dma_wait3A_104 = arith.constant 0 : i32
      %dma_wait3A_105 = arith.constant 0 : i32
      %dma_wait3A_106 = tpu.memref_slice %arg2[%dma_wait3A_104, %dma_wait3A_105] : memref<10000x128xf32, #tpu.memory_space<hbm>> -> memref<10000x128xf32, #tpu.memory_space<hbm>>
      tpu.wait_indirect_dma semaphore(%arg19 : memref<!tpu.dma_semaphore, #tpu.memory_space<semaphore_mem>>) src(%dma_wait3A_106 : memref<10000x128xf32, #tpu.memory_space<hbm>>) dst(%arg13 : memref<80x128xf32, #tpu.memory_space<vmem>>)
      %dma_start3A_107 = arith.constant 0 : i32
      %dma_start3A_108 = arith.constant 0 : i32
      %dma_start3A_109 = tpu.memref_slice %arg2[%dma_start3A_107, %dma_start3A_108] : memref<10000x128xf32, #tpu.memory_space<hbm>> -> memref<10000x128xf32, #tpu.memory_space<hbm>>
      tpu.enqueue_indirect_dma source(%dma_start3A_109 : memref<10000x128xf32, #tpu.memory_space<hbm>>) target(%arg15 : memref<80x128xf32, #tpu.memory_space<vmem>>) offsets(%arg12 : memref<80xi32, #tpu.memory_space<vmem>>) semaphore(%arg21 : memref<!tpu.dma_semaphore, #tpu.memory_space<semaphore_mem>>)
      %add3A_110 = arith.constant 3 : i32
      %add3A_111 = arith.addi %mul3A_93, %add3A_110 : i32
      %mul3A_112 = arith.constant 10000 : i32
      %mul3A_113 = arith.muli %add3A, %mul3A_112 : i32
      %mul3A_114 = arith.constant 80 : i32
      %mul3A_115 = arith.muli %add3A_111, %mul3A_114 : i32
      %add3A_116 = arith.addi %mul3A_113, %mul3A_115 : i32
      %multiple_of3A_117 = tpu.assume_multiple %add3A_116, 80 : i32
      %dma_start3A_118 = tpu.memref_slice %arg3[%multiple_of3A_117] : memref<320000xi32, #tpu.memory_space<hbm>> -> memref<80xi32, #tpu.memory_space<hbm>>
      %dma_start3A_119 = tpu.memref_slice %arg3[%multiple_of3A_117] : memref<320000xi32, #tpu.memory_space<hbm>> -> memref<80xi32, #tpu.memory_space<hbm>>
      tpu.enqueue_dma source(%dma_start3A_119 : memref<80xi32, #tpu.memory_space<hbm>>) target(%arg10 : memref<80xi32, #tpu.memory_space<vmem>>) target_semaphore(%arg22 : memref<!tpu.dma_semaphore, #tpu.memory_space<semaphore_mem>>)
      "tpu.region"() ({
        %run_scoped3A_174 = tpu.sem_alloc : memref<!tpu.dma_semaphore, #tpu.memory_space<semaphore_mem>>
        %dma_start3A_175 = arith.constant 0 : i32
        %dma_start3A_176 = tpu.memref_slice %arg9[%mul3A_93, %dma_start3A_175] : memref<125x80xi32, #tpu.memory_space<vmem>> -> memref<1x80xi32, #tpu.memory_space<vmem>>
        %dma_start3A_177 = tpu.memref_squeeze %dma_start3A_176 : memref<1x80xi32, #tpu.memory_space<vmem>> -> memref<80xi32, #tpu.memory_space<vmem>>
        %dma_start3A_178 = arith.constant 0 : i32
        %dma_start3A_179 = arith.constant 0 : i32
        %dma_start3A_180 = tpu.memref_slice %arg17[%dma_start3A_178, %dma_start3A_179] : memref<10240x128xf32, #tpu.memory_space<vmem_shared>> -> memref<10240x128xf32, #tpu.memory_space<vmem_shared>>
        tpu.enqueue_indirect_dma source(%arg13 : memref<80x128xf32, #tpu.memory_space<vmem>>) target(%dma_start3A_180 : memref<10240x128xf32, #tpu.memory_space<vmem_shared>>) offsets(%dma_start3A_177 : memref<80xi32, #tpu.memory_space<vmem>>) semaphore(%run_scoped3A_174 : memref<!tpu.dma_semaphore, #tpu.memory_space<semaphore_mem>>) {add = true}
        %dma_wait3A_181 = arith.constant 0 : i32
        %dma_wait3A_182 = tpu.memref_slice %arg9[%mul3A_93, %dma_wait3A_181] : memref<125x80xi32, #tpu.memory_space<vmem>> -> memref<1x80xi32, #tpu.memory_space<vmem>>
        %dma_wait3A_183 = tpu.memref_squeeze %dma_wait3A_182 : memref<1x80xi32, #tpu.memory_space<vmem>> -> memref<80xi32, #tpu.memory_space<vmem>>
        %dma_wait3A_184 = arith.constant 0 : i32
        %dma_wait3A_185 = arith.constant 0 : i32
        %dma_wait3A_186 = tpu.memref_slice %arg17[%dma_wait3A_184, %dma_wait3A_185] : memref<10240x128xf32, #tpu.memory_space<vmem_shared>> -> memref<10240x128xf32, #tpu.memory_space<vmem_shared>>
        tpu.wait_indirect_dma semaphore(%run_scoped3A_174 : memref<!tpu.dma_semaphore, #tpu.memory_space<semaphore_mem>>) src(%arg13 : memref<80x128xf32, #tpu.memory_space<vmem>>) dst(%dma_wait3A_186 : memref<10240x128xf32, #tpu.memory_space<vmem_shared>>)
        tpu.yield
      }) : () -> ()
      "tpu.region"() ({
        %run_scoped3A_174 = tpu.sem_alloc : memref<!tpu.dma_semaphore, #tpu.memory_space<semaphore_mem>>
        %dma_start3A_175 = arith.constant 0 : i32
        %dma_start3A_176 = tpu.memref_slice %arg9[%mul3A_93, %dma_start3A_175] : memref<125x80xi32, #tpu.memory_space<vmem>> -> memref<1x80xi32, #tpu.memory_space<vmem>>
        %dma_start3A_177 = tpu.memref_squeeze %dma_start3A_176 : memref<1x80xi32, #tpu.memory_space<vmem>> -> memref<80xi32, #tpu.memory_space<vmem>>
        %dma_start3A_178 = arith.constant 0 : i32
        %dma_start3A_179 = tpu.memref_slice %arg18[%dma_start3A_178] : memref<10240xf32, #tpu.memory_space<vmem_shared>> -> memref<10240xf32, #tpu.memory_space<vmem_shared>>
        tpu.enqueue_indirect_dma source(%arg16 : memref<80xf32, #tpu.memory_space<vmem>>) target(%dma_start3A_179 : memref<10240xf32, #tpu.memory_space<vmem_shared>>) offsets(%dma_start3A_177 : memref<80xi32, #tpu.memory_space<vmem>>) semaphore(%run_scoped3A_174 : memref<!tpu.dma_semaphore, #tpu.memory_space<semaphore_mem>>) {add = true}
        %dma_wait3A_180 = arith.constant 0 : i32
        %dma_wait3A_181 = tpu.memref_slice %arg9[%mul3A_93, %dma_wait3A_180] : memref<125x80xi32, #tpu.memory_space<vmem>> -> memref<1x80xi32, #tpu.memory_space<vmem>>
        %dma_wait3A_182 = tpu.memref_squeeze %dma_wait3A_181 : memref<1x80xi32, #tpu.memory_space<vmem>> -> memref<80xi32, #tpu.memory_space<vmem>>
        %dma_wait3A_183 = arith.constant 0 : i32
        %dma_wait3A_184 = tpu.memref_slice %arg18[%dma_wait3A_183] : memref<10240xf32, #tpu.memory_space<vmem_shared>> -> memref<10240xf32, #tpu.memory_space<vmem_shared>>
        tpu.wait_indirect_dma semaphore(%run_scoped3A_174 : memref<!tpu.dma_semaphore, #tpu.memory_space<semaphore_mem>>) src(%arg16 : memref<80xf32, #tpu.memory_space<vmem>>) dst(%dma_wait3A_184 : memref<10240xf32, #tpu.memory_space<vmem_shared>>)
        tpu.yield
      }) : () -> ()
      %mul3A_120 = arith.constant 3 : i32
      %mul3A_121 = arith.muli %mul3A_120, %scan3A_91 : i32
      %add3A_122 = arith.constant 1 : i32
      %add3A_123 = arith.addi %mul3A_121, %add3A_122 : i32
      %add3A_124 = arith.constant 2 : i32
      %add3A_125 = arith.addi %add3A_123, %add3A_124 : i32
      %mul3A_126 = arith.constant 10000 : i32
      %mul3A_127 = arith.muli %add3A, %mul3A_126 : i32
      %mul3A_128 = arith.constant 80 : i32
      %mul3A_129 = arith.muli %add3A_125, %mul3A_128 : i32
      %add3A_130 = arith.addi %mul3A_127, %mul3A_129 : i32
      %multiple_of3A_131 = tpu.assume_multiple %add3A_130, 80 : i32
      %dma_wait3A_132 = tpu.memref_slice %arg3[%multiple_of3A_131] : memref<320000xi32, #tpu.memory_space<hbm>> -> memref<80xi32, #tpu.memory_space<hbm>>
      %dma_wait3A_133 = tpu.memref_slice %arg3[%multiple_of3A_131] : memref<320000xi32, #tpu.memory_space<hbm>> -> memref<80xi32, #tpu.memory_space<hbm>>
      tpu.wait_dma2 semaphore(%arg22 : memref<!tpu.dma_semaphore, #tpu.memory_space<semaphore_mem>>) src(%dma_wait3A_133 : memref<80xi32, #tpu.memory_space<hbm>>) dst(%arg10 : memref<80xi32, #tpu.memory_space<vmem>>)
      %dma_wait3A_134 = arith.constant 0 : i32
      %dma_wait3A_135 = arith.constant 0 : i32
      %dma_wait3A_136 = tpu.memref_slice %arg2[%dma_wait3A_134, %dma_wait3A_135] : memref<10000x128xf32, #tpu.memory_space<hbm>> -> memref<10000x128xf32, #tpu.memory_space<hbm>>
      tpu.wait_indirect_dma semaphore(%arg20 : memref<!tpu.dma_semaphore, #tpu.memory_space<semaphore_mem>>) src(%dma_wait3A_136 : memref<10000x128xf32, #tpu.memory_space<hbm>>) dst(%arg14 : memref<80x128xf32, #tpu.memory_space<vmem>>)
      %dma_start3A_137 = arith.constant 0 : i32
      %dma_start3A_138 = arith.constant 0 : i32
      %dma_start3A_139 = tpu.memref_slice %arg2[%dma_start3A_137, %dma_start3A_138] : memref<10000x128xf32, #tpu.memory_space<hbm>> -> memref<10000x128xf32, #tpu.memory_space<hbm>>
      tpu.enqueue_indirect_dma source(%dma_start3A_139 : memref<10000x128xf32, #tpu.memory_space<hbm>>) target(%arg13 : memref<80x128xf32, #tpu.memory_space<vmem>>) offsets(%arg10 : memref<80xi32, #tpu.memory_space<vmem>>) semaphore(%arg19 : memref<!tpu.dma_semaphore, #tpu.memory_space<semaphore_mem>>)
      %add3A_140 = arith.constant 3 : i32
      %add3A_141 = arith.addi %add3A_123, %add3A_140 : i32
      %mul3A_142 = arith.constant 10000 : i32
      %mul3A_143 = arith.muli %add3A, %mul3A_142 : i32
      %mul3A_144 = arith.constant 80 : i32
      %mul3A_145 = arith.muli %add3A_141, %mul3A_144 : i32
      %add3A_146 = arith.addi %mul3A_143, %mul3A_145 : i32
      %multiple_of3A_147 = tpu.assume_multiple %add3A_146, 80 : i32
      %dma_start3A_148 = tpu.memref_slice %arg3[%multiple_of3A_147] : memref<320000xi32, #tpu.memory_space<hbm>> -> memref<80xi32, #tpu.memory_space<hbm>>
      %dma_start3A_149 = tpu.memref_slice %arg3[%multiple_of3A_147] : memref<320000xi32, #tpu.memory_space<hbm>> -> memref<80xi32, #tpu.memory_space<hbm>>
      tpu.enqueue_dma source(%dma_start3A_149 : memref<80xi32, #tpu.memory_space<hbm>>) target(%arg11 : memref<80xi32, #tpu.memory_space<vmem>>) target_semaphore(%arg23 : memref<!tpu.dma_semaphore, #tpu.memory_space<semaphore_mem>>)
      "tpu.region"() ({
        %run_scoped3A_174 = tpu.sem_alloc : memref<!tpu.dma_semaphore, #tpu.memory_space<semaphore_mem>>
        %dma_start3A_175 = arith.constant 0 : i32
        %dma_start3A_176 = tpu.memref_slice %arg9[%add3A_123, %dma_start3A_175] : memref<125x80xi32, #tpu.memory_space<vmem>> -> memref<1x80xi32, #tpu.memory_space<vmem>>
        %dma_start3A_177 = tpu.memref_squeeze %dma_start3A_176 : memref<1x80xi32, #tpu.memory_space<vmem>> -> memref<80xi32, #tpu.memory_space<vmem>>
        %dma_start3A_178 = arith.constant 0 : i32
        %dma_start3A_179 = arith.constant 0 : i32
        %dma_start3A_180 = tpu.memref_slice %arg17[%dma_start3A_178, %dma_start3A_179] : memref<10240x128xf32, #tpu.memory_space<vmem_shared>> -> memref<10240x128xf32, #tpu.memory_space<vmem_shared>>
        tpu.enqueue_indirect_dma source(%arg14 : memref<80x128xf32, #tpu.memory_space<vmem>>) target(%dma_start3A_180 : memref<10240x128xf32, #tpu.memory_space<vmem_shared>>) offsets(%dma_start3A_177 : memref<80xi32, #tpu.memory_space<vmem>>) semaphore(%run_scoped3A_174 : memref<!tpu.dma_semaphore, #tpu.memory_space<semaphore_mem>>) {add = true}
        %dma_wait3A_181 = arith.constant 0 : i32
        %dma_wait3A_182 = tpu.memref_slice %arg9[%add3A_123, %dma_wait3A_181] : memref<125x80xi32, #tpu.memory_space<vmem>> -> memref<1x80xi32, #tpu.memory_space<vmem>>
        %dma_wait3A_183 = tpu.memref_squeeze %dma_wait3A_182 : memref<1x80xi32, #tpu.memory_space<vmem>> -> memref<80xi32, #tpu.memory_space<vmem>>
        %dma_wait3A_184 = arith.constant 0 : i32
        %dma_wait3A_185 = arith.constant 0 : i32
        %dma_wait3A_186 = tpu.memref_slice %arg17[%dma_wait3A_184, %dma_wait3A_185] : memref<10240x128xf32, #tpu.memory_space<vmem_shared>> -> memref<10240x128xf32, #tpu.memory_space<vmem_shared>>
        tpu.wait_indirect_dma semaphore(%run_scoped3A_174 : memref<!tpu.dma_semaphore, #tpu.memory_space<semaphore_mem>>) src(%arg14 : memref<80x128xf32, #tpu.memory_space<vmem>>) dst(%dma_wait3A_186 : memref<10240x128xf32, #tpu.memory_space<vmem_shared>>)
        tpu.yield
      }) : () -> ()
      "tpu.region"() ({
        %run_scoped3A_174 = tpu.sem_alloc : memref<!tpu.dma_semaphore, #tpu.memory_space<semaphore_mem>>
        %dma_start3A_175 = arith.constant 0 : i32
        %dma_start3A_176 = tpu.memref_slice %arg9[%add3A_123, %dma_start3A_175] : memref<125x80xi32, #tpu.memory_space<vmem>> -> memref<1x80xi32, #tpu.memory_space<vmem>>
        %dma_start3A_177 = tpu.memref_squeeze %dma_start3A_176 : memref<1x80xi32, #tpu.memory_space<vmem>> -> memref<80xi32, #tpu.memory_space<vmem>>
        %dma_start3A_178 = arith.constant 0 : i32
        %dma_start3A_179 = tpu.memref_slice %arg18[%dma_start3A_178] : memref<10240xf32, #tpu.memory_space<vmem_shared>> -> memref<10240xf32, #tpu.memory_space<vmem_shared>>
        tpu.enqueue_indirect_dma source(%arg16 : memref<80xf32, #tpu.memory_space<vmem>>) target(%dma_start3A_179 : memref<10240xf32, #tpu.memory_space<vmem_shared>>) offsets(%dma_start3A_177 : memref<80xi32, #tpu.memory_space<vmem>>) semaphore(%run_scoped3A_174 : memref<!tpu.dma_semaphore, #tpu.memory_space<semaphore_mem>>) {add = true}
        %dma_wait3A_180 = arith.constant 0 : i32
        %dma_wait3A_181 = tpu.memref_slice %arg9[%add3A_123, %dma_wait3A_180] : memref<125x80xi32, #tpu.memory_space<vmem>> -> memref<1x80xi32, #tpu.memory_space<vmem>>
        %dma_wait3A_182 = tpu.memref_squeeze %dma_wait3A_181 : memref<1x80xi32, #tpu.memory_space<vmem>> -> memref<80xi32, #tpu.memory_space<vmem>>
        %dma_wait3A_183 = arith.constant 0 : i32
        %dma_wait3A_184 = tpu.memref_slice %arg18[%dma_wait3A_183] : memref<10240xf32, #tpu.memory_space<vmem_shared>> -> memref<10240xf32, #tpu.memory_space<vmem_shared>>
        tpu.wait_indirect_dma semaphore(%run_scoped3A_174 : memref<!tpu.dma_semaphore, #tpu.memory_space<semaphore_mem>>) src(%arg16 : memref<80xf32, #tpu.memory_space<vmem>>) dst(%dma_wait3A_184 : memref<10240xf32, #tpu.memory_space<vmem_shared>>)
        tpu.yield
      }) : () -> ()
      %mul3A_150 = arith.constant 3 : i32
      %mul3A_151 = arith.muli %mul3A_150, %scan3A_91 : i32
      %add3A_152 = arith.constant 2 : i32
      %add3A_153 = arith.addi %mul3A_151, %add3A_152 : i32
      %add3A_154 = arith.constant 2 : i32
      %add3A_155 = arith.addi %add3A_153, %add3A_154 : i32
      %mul3A_156 = arith.constant 10000 : i32
      %mul3A_157 = arith.muli %add3A, %mul3A_156 : i32
      %mul3A_158 = arith.constant 80 : i32
      %mul3A_159 = arith.muli %add3A_155, %mul3A_158 : i32
      %add3A_160 = arith.addi %mul3A_157, %mul3A_159 : i32
      %multiple_of3A_161 = tpu.assume_multiple %add3A_160, 80 : i32
      %dma_wait3A_162 = tpu.memref_slice %arg3[%multiple_of3A_161] : memref<320000xi32, #tpu.memory_space<hbm>> -> memref<80xi32, #tpu.memory_space<hbm>>
      %dma_wait3A_163 = tpu.memref_slice %arg3[%multiple_of3A_161] : memref<320000xi32, #tpu.memory_space<hbm>> -> memref<80xi32, #tpu.memory_space<hbm>>
      tpu.wait_dma2 semaphore(%arg23 : memref<!tpu.dma_semaphore, #tpu.memory_space<semaphore_mem>>) src(%dma_wait3A_163 : memref<80xi32, #tpu.memory_space<hbm>>) dst(%arg11 : memref<80xi32, #tpu.memory_space<vmem>>)
      %dma_wait3A_164 = arith.constant 0 : i32
      %dma_wait3A_165 = arith.constant 0 : i32
      %dma_wait3A_166 = tpu.memref_slice %arg2[%dma_wait3A_164, %dma_wait3A_165] : memref<10000x128xf32, #tpu.memory_space<hbm>> -> memref<10000x128xf32, #tpu.memory_space<hbm>>
      tpu.wait_indirect_dma semaphore(%arg21 : memref<!tpu.dma_semaphore, #tpu.memory_space<semaphore_mem>>) src(%dma_wait3A_166 : memref<10000x128xf32, #tpu.memory_space<hbm>>) dst(%arg15 : memref<80x128xf32, #tpu.memory_space<vmem>>)
      %dma_start3A_167 = arith.constant 0 : i32
      %dma_start3A_168 = arith.constant 0 : i32
      %dma_start3A_169 = tpu.memref_slice %arg2[%dma_start3A_167, %dma_start3A_168] : memref<10000x128xf32, #tpu.memory_space<hbm>> -> memref<10000x128xf32, #tpu.memory_space<hbm>>
      tpu.enqueue_indirect_dma source(%dma_start3A_169 : memref<10000x128xf32, #tpu.memory_space<hbm>>) target(%arg14 : memref<80x128xf32, #tpu.memory_space<vmem>>) offsets(%arg11 : memref<80xi32, #tpu.memory_space<vmem>>) semaphore(%arg20 : memref<!tpu.dma_semaphore, #tpu.memory_space<semaphore_mem>>)
      %add3A_170 = arith.constant 3 : i32
      %add3A_171 = arith.addi %add3A_153, %add3A_170 : i32
      %lt3A = arith.constant 125 : i32
      %lt3A_172 = arith.cmpi slt, %add3A_171, %lt3A : i32
      %convert_element_type3A = arith.extui %lt3A_172 : i1 to i32
      %cond3A = arith.constant 0 : i32
      %cond3A_173 = arith.cmpi ne, %convert_element_type3A, %cond3A : i32
      scf.if %cond3A_173 {
        %add3A_174 = arith.constant 3 : i32
        %add3A_175 = arith.addi %add3A_153, %add3A_174 : i32
        %mul3A_176 = arith.constant 10000 : i32
        %mul3A_177 = arith.muli %add3A, %mul3A_176 : i32
        %mul3A_178 = arith.constant 80 : i32
        %mul3A_179 = arith.muli %add3A_175, %mul3A_178 : i32
        %add3A_180 = arith.addi %mul3A_177, %mul3A_179 : i32
        %multiple_of3A_181 = tpu.assume_multiple %add3A_180, 80 : i32
        %dma_start3A_182 = tpu.memref_slice %arg3[%multiple_of3A_181] : memref<320000xi32, #tpu.memory_space<hbm>> -> memref<80xi32, #tpu.memory_space<hbm>>
        %dma_start3A_183 = tpu.memref_slice %arg3[%multiple_of3A_181] : memref<320000xi32, #tpu.memory_space<hbm>> -> memref<80xi32, #tpu.memory_space<hbm>>
        tpu.enqueue_dma source(%dma_start3A_183 : memref<80xi32, #tpu.memory_space<hbm>>) target(%arg12 : memref<80xi32, #tpu.memory_space<vmem>>) target_semaphore(%arg24 : memref<!tpu.dma_semaphore, #tpu.memory_space<semaphore_mem>>)
      } else {
      }
      "tpu.region"() ({
        %run_scoped3A_174 = tpu.sem_alloc : memref<!tpu.dma_semaphore, #tpu.memory_space<semaphore_mem>>
        %dma_start3A_175 = arith.constant 0 : i32
        %dma_start3A_176 = tpu.memref_slice %arg9[%add3A_153, %dma_start3A_175] : memref<125x80xi32, #tpu.memory_space<vmem>> -> memref<1x80xi32, #tpu.memory_space<vmem>>
        %dma_start3A_177 = tpu.memref_squeeze %dma_start3A_176 : memref<1x80xi32, #tpu.memory_space<vmem>> -> memref<80xi32, #tpu.memory_space<vmem>>
        %dma_start3A_178 = arith.constant 0 : i32
        %dma_start3A_179 = arith.constant 0 : i32
        %dma_start3A_180 = tpu.memref_slice %arg17[%dma_start3A_178, %dma_start3A_179] : memref<10240x128xf32, #tpu.memory_space<vmem_shared>> -> memref<10240x128xf32, #tpu.memory_space<vmem_shared>>
        tpu.enqueue_indirect_dma source(%arg15 : memref<80x128xf32, #tpu.memory_space<vmem>>) target(%dma_start3A_180 : memref<10240x128xf32, #tpu.memory_space<vmem_shared>>) offsets(%dma_start3A_177 : memref<80xi32, #tpu.memory_space<vmem>>) semaphore(%run_scoped3A_174 : memref<!tpu.dma_semaphore, #tpu.memory_space<semaphore_mem>>) {add = true}
        %dma_wait3A_181 = arith.constant 0 : i32
        %dma_wait3A_182 = tpu.memref_slice %arg9[%add3A_153, %dma_wait3A_181] : memref<125x80xi32, #tpu.memory_space<vmem>> -> memref<1x80xi32, #tpu.memory_space<vmem>>
        %dma_wait3A_183 = tpu.memref_squeeze %dma_wait3A_182 : memref<1x80xi32, #tpu.memory_space<vmem>> -> memref<80xi32, #tpu.memory_space<vmem>>
        %dma_wait3A_184 = arith.constant 0 : i32
        %dma_wait3A_185 = arith.constant 0 : i32
        %dma_wait3A_186 = tpu.memref_slice %arg17[%dma_wait3A_184, %dma_wait3A_185] : memref<10240x128xf32, #tpu.memory_space<vmem_shared>> -> memref<10240x128xf32, #tpu.memory_space<vmem_shared>>
        tpu.wait_indirect_dma semaphore(%run_scoped3A_174 : memref<!tpu.dma_semaphore, #tpu.memory_space<semaphore_mem>>) src(%arg15 : memref<80x128xf32, #tpu.memory_space<vmem>>) dst(%dma_wait3A_186 : memref<10240x128xf32, #tpu.memory_space<vmem_shared>>)
        tpu.yield
      }) : () -> ()
      "tpu.region"() ({
        %run_scoped3A_174 = tpu.sem_alloc : memref<!tpu.dma_semaphore, #tpu.memory_space<semaphore_mem>>
        %dma_start3A_175 = arith.constant 0 : i32
        %dma_start3A_176 = tpu.memref_slice %arg9[%add3A_153, %dma_start3A_175] : memref<125x80xi32, #tpu.memory_space<vmem>> -> memref<1x80xi32, #tpu.memory_space<vmem>>
        %dma_start3A_177 = tpu.memref_squeeze %dma_start3A_176 : memref<1x80xi32, #tpu.memory_space<vmem>> -> memref<80xi32, #tpu.memory_space<vmem>>
        %dma_start3A_178 = arith.constant 0 : i32
        %dma_start3A_179 = tpu.memref_slice %arg18[%dma_start3A_178] : memref<10240xf32, #tpu.memory_space<vmem_shared>> -> memref<10240xf32, #tpu.memory_space<vmem_shared>>
        tpu.enqueue_indirect_dma source(%arg16 : memref<80xf32, #tpu.memory_space<vmem>>) target(%dma_start3A_179 : memref<10240xf32, #tpu.memory_space<vmem_shared>>) offsets(%dma_start3A_177 : memref<80xi32, #tpu.memory_space<vmem>>) semaphore(%run_scoped3A_174 : memref<!tpu.dma_semaphore, #tpu.memory_space<semaphore_mem>>) {add = true}
        %dma_wait3A_180 = arith.constant 0 : i32
        %dma_wait3A_181 = tpu.memref_slice %arg9[%add3A_153, %dma_wait3A_180] : memref<125x80xi32, #tpu.memory_space<vmem>> -> memref<1x80xi32, #tpu.memory_space<vmem>>
        %dma_wait3A_182 = tpu.memref_squeeze %dma_wait3A_181 : memref<1x80xi32, #tpu.memory_space<vmem>> -> memref<80xi32, #tpu.memory_space<vmem>>
        %dma_wait3A_183 = arith.constant 0 : i32
        %dma_wait3A_184 = tpu.memref_slice %arg18[%dma_wait3A_183] : memref<10240xf32, #tpu.memory_space<vmem_shared>> -> memref<10240xf32, #tpu.memory_space<vmem_shared>>
        tpu.wait_indirect_dma semaphore(%run_scoped3A_174 : memref<!tpu.dma_semaphore, #tpu.memory_space<semaphore_mem>>) src(%arg16 : memref<80xf32, #tpu.memory_space<vmem>>) dst(%dma_wait3A_184 : memref<10240xf32, #tpu.memory_space<vmem_shared>>)
        tpu.yield
      }) : () -> ()
    }
    %scan3A_74 = arith.constant 41 : i32
    %dma_wait3A_75 = arith.constant 0 : i32
    %dma_wait3A_76 = arith.constant 0 : i32
    %dma_wait3A_77 = tpu.memref_slice %arg2[%dma_wait3A_75, %dma_wait3A_76] : memref<10000x128xf32, #tpu.memory_space<hbm>> -> memref<10000x128xf32, #tpu.memory_space<hbm>>
    tpu.wait_indirect_dma semaphore(%arg19 : memref<!tpu.dma_semaphore, #tpu.memory_space<semaphore_mem>>) src(%dma_wait3A_77 : memref<10000x128xf32, #tpu.memory_space<hbm>>) dst(%arg13 : memref<80x128xf32, #tpu.memory_space<vmem>>)
    %run_scoped3A = arith.constant 123 : i32
    "tpu.region"() ({
      %run_scoped3A_91 = tpu.sem_alloc : memref<!tpu.dma_semaphore, #tpu.memory_space<semaphore_mem>>
      %dma_start3A_92 = arith.constant 0 : i32
      %dma_start3A_93 = tpu.memref_slice %arg9[%run_scoped3A, %dma_start3A_92] : memref<125x80xi32, #tpu.memory_space<vmem>> -> memref<1x80xi32, #tpu.memory_space<vmem>>
      %dma_start3A_94 = tpu.memref_squeeze %dma_start3A_93 : memref<1x80xi32, #tpu.memory_space<vmem>> -> memref<80xi32, #tpu.memory_space<vmem>>
      %dma_start3A_95 = arith.constant 0 : i32
      %dma_start3A_96 = arith.constant 0 : i32
      %dma_start3A_97 = tpu.memref_slice %arg17[%dma_start3A_95, %dma_start3A_96] : memref<10240x128xf32, #tpu.memory_space<vmem_shared>> -> memref<10240x128xf32, #tpu.memory_space<vmem_shared>>
      tpu.enqueue_indirect_dma source(%arg13 : memref<80x128xf32, #tpu.memory_space<vmem>>) target(%dma_start3A_97 : memref<10240x128xf32, #tpu.memory_space<vmem_shared>>) offsets(%dma_start3A_94 : memref<80xi32, #tpu.memory_space<vmem>>) semaphore(%run_scoped3A_91 : memref<!tpu.dma_semaphore, #tpu.memory_space<semaphore_mem>>) {add = true}
      %dma_wait3A_98 = arith.constant 0 : i32
      %dma_wait3A_99 = tpu.memref_slice %arg9[%run_scoped3A, %dma_wait3A_98] : memref<125x80xi32, #tpu.memory_space<vmem>> -> memref<1x80xi32, #tpu.memory_space<vmem>>
      %dma_wait3A_100 = tpu.memref_squeeze %dma_wait3A_99 : memref<1x80xi32, #tpu.memory_space<vmem>> -> memref<80xi32, #tpu.memory_space<vmem>>
      %dma_wait3A_101 = arith.constant 0 : i32
      %dma_wait3A_102 = arith.constant 0 : i32
      %dma_wait3A_103 = tpu.memref_slice %arg17[%dma_wait3A_101, %dma_wait3A_102] : memref<10240x128xf32, #tpu.memory_space<vmem_shared>> -> memref<10240x128xf32, #tpu.memory_space<vmem_shared>>
      tpu.wait_indirect_dma semaphore(%run_scoped3A_91 : memref<!tpu.dma_semaphore, #tpu.memory_space<semaphore_mem>>) src(%arg13 : memref<80x128xf32, #tpu.memory_space<vmem>>) dst(%dma_wait3A_103 : memref<10240x128xf32, #tpu.memory_space<vmem_shared>>)
      tpu.yield
    }) : () -> ()
    %run_scoped3A_78 = arith.constant 123 : i32
    "tpu.region"() ({
      %run_scoped3A_91 = tpu.sem_alloc : memref<!tpu.dma_semaphore, #tpu.memory_space<semaphore_mem>>
      %dma_start3A_92 = arith.constant 0 : i32
      %dma_start3A_93 = tpu.memref_slice %arg9[%run_scoped3A_78, %dma_start3A_92] : memref<125x80xi32, #tpu.memory_space<vmem>> -> memref<1x80xi32, #tpu.memory_space<vmem>>
      %dma_start3A_94 = tpu.memref_squeeze %dma_start3A_93 : memref<1x80xi32, #tpu.memory_space<vmem>> -> memref<80xi32, #tpu.memory_space<vmem>>
      %dma_start3A_95 = arith.constant 0 : i32
      %dma_start3A_96 = tpu.memref_slice %arg18[%dma_start3A_95] : memref<10240xf32, #tpu.memory_space<vmem_shared>> -> memref<10240xf32, #tpu.memory_space<vmem_shared>>
      tpu.enqueue_indirect_dma source(%arg16 : memref<80xf32, #tpu.memory_space<vmem>>) target(%dma_start3A_96 : memref<10240xf32, #tpu.memory_space<vmem_shared>>) offsets(%dma_start3A_94 : memref<80xi32, #tpu.memory_space<vmem>>) semaphore(%run_scoped3A_91 : memref<!tpu.dma_semaphore, #tpu.memory_space<semaphore_mem>>) {add = true}
      %dma_wait3A_97 = arith.constant 0 : i32
      %dma_wait3A_98 = tpu.memref_slice %arg9[%run_scoped3A_78, %dma_wait3A_97] : memref<125x80xi32, #tpu.memory_space<vmem>> -> memref<1x80xi32, #tpu.memory_space<vmem>>
      %dma_wait3A_99 = tpu.memref_squeeze %dma_wait3A_98 : memref<1x80xi32, #tpu.memory_space<vmem>> -> memref<80xi32, #tpu.memory_space<vmem>>
      %dma_wait3A_100 = arith.constant 0 : i32
      %dma_wait3A_101 = tpu.memref_slice %arg18[%dma_wait3A_100] : memref<10240xf32, #tpu.memory_space<vmem_shared>> -> memref<10240xf32, #tpu.memory_space<vmem_shared>>
      tpu.wait_indirect_dma semaphore(%run_scoped3A_91 : memref<!tpu.dma_semaphore, #tpu.memory_space<semaphore_mem>>) src(%arg16 : memref<80xf32, #tpu.memory_space<vmem>>) dst(%dma_wait3A_101 : memref<10240xf32, #tpu.memory_space<vmem_shared>>)
      tpu.yield
    }) : () -> ()
    %dma_wait3A_79 = arith.constant 0 : i32
    %dma_wait3A_80 = arith.constant 0 : i32
    %dma_wait3A_81 = tpu.memref_slice %arg2[%dma_wait3A_79, %dma_wait3A_80] : memref<10000x128xf32, #tpu.memory_space<hbm>> -> memref<10000x128xf32, #tpu.memory_space<hbm>>
    tpu.wait_indirect_dma semaphore(%arg20 : memref<!tpu.dma_semaphore, #tpu.memory_space<semaphore_mem>>) src(%dma_wait3A_81 : memref<10000x128xf32, #tpu.memory_space<hbm>>) dst(%arg14 : memref<80x128xf32, #tpu.memory_space<vmem>>)
    %run_scoped3A_82 = arith.constant 124 : i32
    "tpu.region"() ({
      %run_scoped3A_91 = tpu.sem_alloc : memref<!tpu.dma_semaphore, #tpu.memory_space<semaphore_mem>>
      %dma_start3A_92 = arith.constant 0 : i32
      %dma_start3A_93 = tpu.memref_slice %arg9[%run_scoped3A_82, %dma_start3A_92] : memref<125x80xi32, #tpu.memory_space<vmem>> -> memref<1x80xi32, #tpu.memory_space<vmem>>
      %dma_start3A_94 = tpu.memref_squeeze %dma_start3A_93 : memref<1x80xi32, #tpu.memory_space<vmem>> -> memref<80xi32, #tpu.memory_space<vmem>>
      %dma_start3A_95 = arith.constant 0 : i32
      %dma_start3A_96 = arith.constant 0 : i32
      %dma_start3A_97 = tpu.memref_slice %arg17[%dma_start3A_95, %dma_start3A_96] : memref<10240x128xf32, #tpu.memory_space<vmem_shared>> -> memref<10240x128xf32, #tpu.memory_space<vmem_shared>>
      tpu.enqueue_indirect_dma source(%arg14 : memref<80x128xf32, #tpu.memory_space<vmem>>) target(%dma_start3A_97 : memref<10240x128xf32, #tpu.memory_space<vmem_shared>>) offsets(%dma_start3A_94 : memref<80xi32, #tpu.memory_space<vmem>>) semaphore(%run_scoped3A_91 : memref<!tpu.dma_semaphore, #tpu.memory_space<semaphore_mem>>) {add = true}
      %dma_wait3A_98 = arith.constant 0 : i32
      %dma_wait3A_99 = tpu.memref_slice %arg9[%run_scoped3A_82, %dma_wait3A_98] : memref<125x80xi32, #tpu.memory_space<vmem>> -> memref<1x80xi32, #tpu.memory_space<vmem>>
      %dma_wait3A_100 = tpu.memref_squeeze %dma_wait3A_99 : memref<1x80xi32, #tpu.memory_space<vmem>> -> memref<80xi32, #tpu.memory_space<vmem>>
      %dma_wait3A_101 = arith.constant 0 : i32
      %dma_wait3A_102 = arith.constant 0 : i32
      %dma_wait3A_103 = tpu.memref_slice %arg17[%dma_wait3A_101, %dma_wait3A_102] : memref<10240x128xf32, #tpu.memory_space<vmem_shared>> -> memref<10240x128xf32, #tpu.memory_space<vmem_shared>>
      tpu.wait_indirect_dma semaphore(%run_scoped3A_91 : memref<!tpu.dma_semaphore, #tpu.memory_space<semaphore_mem>>) src(%arg14 : memref<80x128xf32, #tpu.memory_space<vmem>>) dst(%dma_wait3A_103 : memref<10240x128xf32, #tpu.memory_space<vmem_shared>>)
      tpu.yield
    }) : () -> ()
    %run_scoped3A_83 = arith.constant 124 : i32
    "tpu.region"() ({
      %run_scoped3A_91 = tpu.sem_alloc : memref<!tpu.dma_semaphore, #tpu.memory_space<semaphore_mem>>
      %dma_start3A_92 = arith.constant 0 : i32
      %dma_start3A_93 = tpu.memref_slice %arg9[%run_scoped3A_83, %dma_start3A_92] : memref<125x80xi32, #tpu.memory_space<vmem>> -> memref<1x80xi32, #tpu.memory_space<vmem>>
      %dma_start3A_94 = tpu.memref_squeeze %dma_start3A_93 : memref<1x80xi32, #tpu.memory_space<vmem>> -> memref<80xi32, #tpu.memory_space<vmem>>
      %dma_start3A_95 = arith.constant 0 : i32
      %dma_start3A_96 = tpu.memref_slice %arg18[%dma_start3A_95] : memref<10240xf32, #tpu.memory_space<vmem_shared>> -> memref<10240xf32, #tpu.memory_space<vmem_shared>>
      tpu.enqueue_indirect_dma source(%arg16 : memref<80xf32, #tpu.memory_space<vmem>>) target(%dma_start3A_96 : memref<10240xf32, #tpu.memory_space<vmem_shared>>) offsets(%dma_start3A_94 : memref<80xi32, #tpu.memory_space<vmem>>) semaphore(%run_scoped3A_91 : memref<!tpu.dma_semaphore, #tpu.memory_space<semaphore_mem>>) {add = true}
      %dma_wait3A_97 = arith.constant 0 : i32
      %dma_wait3A_98 = tpu.memref_slice %arg9[%run_scoped3A_83, %dma_wait3A_97] : memref<125x80xi32, #tpu.memory_space<vmem>> -> memref<1x80xi32, #tpu.memory_space<vmem>>
      %dma_wait3A_99 = tpu.memref_squeeze %dma_wait3A_98 : memref<1x80xi32, #tpu.memory_space<vmem>> -> memref<80xi32, #tpu.memory_space<vmem>>
      %dma_wait3A_100 = arith.constant 0 : i32
      %dma_wait3A_101 = tpu.memref_slice %arg18[%dma_wait3A_100] : memref<10240xf32, #tpu.memory_space<vmem_shared>> -> memref<10240xf32, #tpu.memory_space<vmem_shared>>
      tpu.wait_indirect_dma semaphore(%run_scoped3A_91 : memref<!tpu.dma_semaphore, #tpu.memory_space<semaphore_mem>>) src(%arg16 : memref<80xf32, #tpu.memory_space<vmem>>) dst(%dma_wait3A_101 : memref<10240xf32, #tpu.memory_space<vmem_shared>>)
      tpu.yield
    }) : () -> ()
    %barrier3A_84 = arith.constant 0 : index
    tpu.barrier barrier_id(%barrier3A_84)
    %mul3A_85 = arith.constant 10240 : i32
    %mul3A_86 = arith.muli %arg0, %mul3A_85 : i32
    %mul3A_87 = arith.constant 640 : i32
    %mul3A_88 = arith.muli %arg1, %mul3A_87 : i32
    %add3A_89 = arith.addi %mul3A_86, %mul3A_88 : i32
    %multiple_of3A_90 = tpu.assume_multiple %add3A_89, 640 : i32
    "tpu.region"() ({
      %run_scoped3A_91 = tpu.sem_alloc : memref<!tpu.dma_semaphore, #tpu.memory_space<semaphore_mem>>
      %dma_start3A_92 = arith.constant 0 : i32
      %dma_start3A_93 = tpu.memref_slice %arg7[%multiple_of3A_90, %dma_start3A_92] : memref<20480x128xf32, #tpu.memory_space<hbm>> -> memref<640x128xf32, #tpu.memory_space<hbm>>
      %dma_start3A_94 = arith.constant 0 : i32
      %dma_start3A_95 = tpu.memref_slice %arg17[%multiple_of3A, %dma_start3A_94] : memref<10240x128xf32, #tpu.memory_space<vmem_shared>> -> memref<640x128xf32, #tpu.memory_space<vmem_shared>>
      tpu.enqueue_dma source(%dma_start3A_95 : memref<640x128xf32, #tpu.memory_space<vmem_shared>>) target(%dma_start3A_93 : memref<640x128xf32, #tpu.memory_space<hbm>>) target_semaphore(%run_scoped3A_91 : memref<!tpu.dma_semaphore, #tpu.memory_space<semaphore_mem>>)
      %dma_wait3A_96 = arith.constant 0 : i32
      %dma_wait3A_97 = tpu.memref_slice %arg7[%multiple_of3A_90, %dma_wait3A_96] : memref<20480x128xf32, #tpu.memory_space<hbm>> -> memref<640x128xf32, #tpu.memory_space<hbm>>
      %dma_wait3A_98 = arith.constant 0 : i32
      %dma_wait3A_99 = tpu.memref_slice %arg17[%multiple_of3A, %dma_wait3A_98] : memref<10240x128xf32, #tpu.memory_space<vmem_shared>> -> memref<640x128xf32, #tpu.memory_space<vmem_shared>>
      tpu.wait_dma2 semaphore(%run_scoped3A_91 : memref<!tpu.dma_semaphore, #tpu.memory_space<semaphore_mem>>) src(%dma_wait3A_99 : memref<640x128xf32, #tpu.memory_space<vmem_shared>>) dst(%dma_wait3A_97 : memref<640x128xf32, #tpu.memory_space<hbm>>)
      tpu.yield
    }) : () -> ()
    "tpu.region"() ({
      %run_scoped3A_91 = tpu.sem_alloc : memref<!tpu.dma_semaphore, #tpu.memory_space<semaphore_mem>>
      %dma_start3A_92 = tpu.memref_slice %arg8[%multiple_of3A_90] : memref<20480xf32, #tpu.memory_space<hbm>> -> memref<640xf32, #tpu.memory_space<hbm>>
      %dma_start3A_93 = tpu.memref_slice %arg18[%multiple_of3A] : memref<10240xf32, #tpu.memory_space<vmem_shared>> -> memref<640xf32, #tpu.memory_space<vmem_shared>>
      tpu.enqueue_dma source(%dma_start3A_93 : memref<640xf32, #tpu.memory_space<vmem_shared>>) target(%dma_start3A_92 : memref<640xf32, #tpu.memory_space<hbm>>) target_semaphore(%run_scoped3A_91 : memref<!tpu.dma_semaphore, #tpu.memory_space<semaphore_mem>>)
      %dma_wait3A_94 = tpu.memref_slice %arg8[%multiple_of3A_90] : memref<20480xf32, #tpu.memory_space<hbm>> -> memref<640xf32, #tpu.memory_space<hbm>>
      %dma_wait3A_95 = tpu.memref_slice %arg18[%multiple_of3A] : memref<10240xf32, #tpu.memory_space<vmem_shared>> -> memref<640xf32, #tpu.memory_space<vmem_shared>>
      tpu.wait_dma2 semaphore(%run_scoped3A_91 : memref<!tpu.dma_semaphore, #tpu.memory_space<semaphore_mem>>) src(%dma_wait3A_95 : memref<640xf32, #tpu.memory_space<vmem_shared>>) dst(%dma_wait3A_94 : memref<640xf32, #tpu.memory_space<hbm>>)
      tpu.yield
    }) : () -> ()
    return
  }
}

module attributes {stable_mosaic.version = 14 : i64} {
  func.func @_post_body(%arg0: memref<6000x128xf32, #tpu.memory_space<vmem>>, %arg1: memref<4000x128xf32, #tpu.memory_space<vmem>>, %arg2: memref<2x10240x128xf32, #tpu.memory_space<vmem>>, %arg3: memref<2x10240x1xf32, #tpu.memory_space<vmem>>, %arg4: memref<128x128xf32, #tpu.memory_space<vmem>>, %arg5: memref<1x1xf32, #tpu.memory_space<smem>>, %arg6: memref<6000x128xf32, #tpu.memory_space<vmem>>, %arg7: memref<4000x128xf32, #tpu.memory_space<vmem>>) attributes {dimension_semantics = [], scalar_prefetch = 0 : i64, scratch_operands = 0 : i64, tpu.core_type = #tpu.core_type<tc>} {
    %get3A = arith.constant 0 : index
    %get3A_0 = arith.constant 0 : index
    %get3A_1 = vector.load %arg0[%get3A, %get3A_0] : memref<6000x128xf32, #tpu.memory_space<vmem>>, vector<6000x128xf32>
    %get3A_2 = arith.constant 0 : index
    %get3A_3 = arith.constant 0 : index
    %get3A_4 = vector.load %arg1[%get3A_2, %get3A_3] : memref<4000x128xf32, #tpu.memory_space<vmem>>, vector<4000x128xf32>
    %mul3A = arith.mulf %get3A_1, %get3A_1 : vector<6000x128xf32>
    %reduce_sum3A = arith.constant dense<0.000000e+00> : vector<6000xf32>
    %reduce_sum3A_5 = vector.multi_reduction <add>, %mul3A, %reduce_sum3A [1] : vector<6000x128xf32> to vector<6000xf32>
    %reduce_max3A = vector.shape_cast %reduce_sum3A_5 : vector<6000xf32> to vector<1x6000xf32>
    %reduce_max3A_6 = arith.constant dense<0xFF800000> : vector<1xf32>
    %reduce_max3A_7 = vector.multi_reduction <maximumf>, %reduce_max3A, %reduce_max3A_6 [1] : vector<1x6000xf32> to vector<1xf32>
    %reduce_max3A_8 = vector.shape_cast %reduce_max3A_7 : vector<1xf32> to vector<1x1xf32>
    %reduce_max3A_9 = vector.extract %reduce_max3A_8[0, 0] : f32 from vector<1x1xf32>
    %mul3A_10 = arith.mulf %get3A_4, %get3A_4 : vector<4000x128xf32>
    %reduce_sum3A_11 = arith.constant dense<0.000000e+00> : vector<4000xf32>
    %reduce_sum3A_12 = vector.multi_reduction <add>, %mul3A_10, %reduce_sum3A_11 [1] : vector<4000x128xf32> to vector<4000xf32>
    %reduce_max3A_13 = vector.shape_cast %reduce_sum3A_12 : vector<4000xf32> to vector<1x4000xf32>
    %reduce_max3A_14 = arith.constant dense<0xFF800000> : vector<1xf32>
    %reduce_max3A_15 = vector.multi_reduction <maximumf>, %reduce_max3A_13, %reduce_max3A_14 [1] : vector<1x4000xf32> to vector<1xf32>
    %reduce_max3A_16 = vector.shape_cast %reduce_max3A_15 : vector<1xf32> to vector<1x1xf32>
    %reduce_max3A_17 = vector.extract %reduce_max3A_16[0, 0] : f32 from vector<1x1xf32>
    %max3A = arith.maximumf %reduce_max3A_9, %reduce_max3A_17 : f32
    %rsqrt3A = math.rsqrt %max3A : f32
    %get3A_18 = arith.constant 0 : index
    %get3A_19 = arith.constant 0 : index
    %get3A_20 = memref.load %arg5[%get3A_18, %get3A_19] : memref<1x1xf32, #tpu.memory_space<smem>>
    %get3A_21 = arith.constant 0 : index
    %get3A_22 = arith.constant 0 : index
    %get3A_23 = arith.constant 0 : index
    %get3A_24 = vector.load %arg2[%get3A_21, %get3A_22, %get3A_23] : memref<2x10240x128xf32, #tpu.memory_space<vmem>>, vector<1x10240x128xf32>
    %get3A_25 = vector.shape_cast %get3A_24 : vector<1x10240x128xf32> to vector<10240x128xf32>
    %get3A_26 = arith.constant 1 : index
    %get3A_27 = arith.constant 0 : index
    %get3A_28 = arith.constant 0 : index
    %get3A_29 = vector.load %arg2[%get3A_26, %get3A_27, %get3A_28] : memref<2x10240x128xf32, #tpu.memory_space<vmem>>, vector<1x10240x128xf32>
    %get3A_30 = vector.shape_cast %get3A_29 : vector<1x10240x128xf32> to vector<10240x128xf32>
    %add3A = arith.addf %get3A_25, %get3A_30 : vector<10240x128xf32>
    %slice3A = vector.extract_strided_slice %add3A {offsets = [0, 0], sizes = [10000, 128], strides = [1, 1]} : vector<10240x128xf32> to vector<10000x128xf32>
    %get3A_31 = arith.constant 0 : index
    %get3A_32 = arith.constant 0 : index
    %get3A_33 = arith.constant 0 : index
    %get3A_34 = vector.load %arg3[%get3A_31, %get3A_32, %get3A_33] : memref<2x10240x1xf32, #tpu.memory_space<vmem>>, vector<1x10240x1xf32>
    %get3A_35 = vector.shape_cast %get3A_34 : vector<1x10240x1xf32> to vector<10240x1xf32>
    %get3A_36 = arith.constant 1 : index
    %get3A_37 = arith.constant 0 : index
    %get3A_38 = arith.constant 0 : index
    %get3A_39 = vector.load %arg3[%get3A_36, %get3A_37, %get3A_38] : memref<2x10240x1xf32, #tpu.memory_space<vmem>>, vector<1x10240x1xf32>
    %get3A_40 = vector.shape_cast %get3A_39 : vector<1x10240x1xf32> to vector<10240x1xf32>
    %add3A_41 = arith.addf %get3A_35, %get3A_40 : vector<10240x1xf32>
    %slice3A_42 = vector.extract_strided_slice %add3A_41 {offsets = [0, 0], sizes = [10000, 1], strides = [1, 1]} : vector<10240x1xf32> to vector<10000x1xf32>
    %add3A_43 = arith.constant 1.000000e+00 : f32
    %add3A_44 = vector.broadcast %add3A_43 : f32 to vector<10000x1xf32>
    %add3A_45 = arith.addf %slice3A_42, %add3A_44 : vector<10000x1xf32>
    %rsqrt3A_46 = math.rsqrt %add3A_45 : vector<10000x1xf32>
    %mul3A_47 = vector.broadcast %rsqrt3A : f32 to vector<10000x1xf32>
    %mul3A_48 = arith.mulf %rsqrt3A_46, %mul3A_47 : vector<10000x1xf32>
    %get3A_49 = arith.constant 0 : index
    %get3A_50 = arith.constant 0 : index
    %get3A_51 = vector.load %arg4[%get3A_49, %get3A_50] : memref<128x128xf32, #tpu.memory_space<vmem>>, vector<128x128xf32>
    %dot_general3A = arith.constant dense<0.000000e+00> : vector<10000x128xf32>
    %dot_general3A_52 = tpu.matmul %slice3A, %get3A_51, %dot_general3A {dimension_numbers = #tpu.dot_dimension_numbers<[1], [0], [0], [1], [0, 0, 1, 1], [], []>, transpose_lhs_hint = false} : vector<10000x128xf32>, vector<128x128xf32>, vector<10000x128xf32> -> vector<10000x128xf32>
    %mul3A_53 = vector.broadcast %mul3A_48 : vector<10000x1xf32> to vector<10000x128xf32>
    %mul3A_54 = arith.mulf %dot_general3A_52, %mul3A_53 : vector<10000x128xf32>
    %tanh3A = math.tanh %mul3A_54 : vector<10000x128xf32>
    %mul3A_55 = vector.broadcast %rsqrt3A : f32 to vector<6000x128xf32>
    %mul3A_56 = arith.mulf %get3A_1, %mul3A_55 : vector<6000x128xf32>
    %slice3A_57 = vector.extract_strided_slice %tanh3A {offsets = [0, 0], sizes = [6000, 128], strides = [1, 1]} : vector<10000x128xf32> to vector<6000x128xf32>
    %mul3A_58 = vector.broadcast %get3A_20 : f32 to vector<6000x128xf32>
    %mul3A_59 = arith.mulf %mul3A_58, %slice3A_57 : vector<6000x128xf32>
    %add3A_60 = arith.addf %mul3A_56, %mul3A_59 : vector<6000x128xf32>
    %swap3A = arith.constant 0 : index
    %swap3A_61 = arith.constant 0 : index
    %swap3A_62 = vector.load %arg6[%swap3A, %swap3A_61] : memref<6000x128xf32, #tpu.memory_space<vmem>>, vector<6000x128xf32>
    tpu.vector_store %arg6[%swap3A, %swap3A_61], %add3A_60 {strides = array<i32>} : memref<6000x128xf32, #tpu.memory_space<vmem>>, vector<6000x128xf32>,
    %mul3A_63 = vector.broadcast %rsqrt3A : f32 to vector<4000x128xf32>
    %mul3A_64 = arith.mulf %get3A_4, %mul3A_63 : vector<4000x128xf32>
    %slice3A_65 = vector.extract_strided_slice %tanh3A {offsets = [6000, 0], sizes = [4000, 128], strides = [1, 1]} : vector<10000x128xf32> to vector<4000x128xf32>
    %mul3A_66 = vector.broadcast %get3A_20 : f32 to vector<4000x128xf32>
    %mul3A_67 = arith.mulf %mul3A_66, %slice3A_65 : vector<4000x128xf32>
    %add3A_68 = arith.addf %mul3A_64, %mul3A_67 : vector<4000x128xf32>
    %swap3A_69 = arith.constant 0 : index
    %swap3A_70 = arith.constant 0 : index
    %swap3A_71 = vector.load %arg7[%swap3A_69, %swap3A_70] : memref<4000x128xf32, #tpu.memory_space<vmem>>, vector<4000x128xf32>
    tpu.vector_store %arg7[%swap3A_69, %swap3A_70], %add3A_68 {strides = array<i32>} : memref<4000x128xf32, #tpu.memory_space<vmem>>, vector<4000x128xf32>,
    return
  }
}

</mosaic_0001>

<sc_bundles>
// kernel: kernel.4.cloned.1.call-start
scs
__scs_entry_jumppad:
0x0: {  	(pc) =	sbr.rel $0x88, $3  }
0x1: {  	(tag) =	ssettag $0x0;
	lr =	simm.s32 $0x1  }
0x2: {  	[smem:$0x3F9A] =	sst lr;
	_ =	strace $0xD0000000  }
0x3: {  	_ = 	snop  }
0x4: {  	_ = 	snop  }
0x5: {  	_ = 	snop  }
0x6: {  	_ = 	snop  }
0x7: {  	_ = 	snop  }
__scs_overlays_trampoline_lowered:
0x8: {  	[smem:$0x3FA9] =	sst s0  }
0x9: {  	[smem:$0x3FAA] =	sst s1  }
0xa: {  	[smem:$0x3FAB] =	sst s2  }
0xb: {  	[smem:$0x3FAC] =	sst s3  }
0xc: {  	[smem:$0x3FAD] =	sst s4  }
0xd: {  	[smem:$0x3FAE] =	sst s5  }
0xe: {  	[smem:$0x3FAF] =	sst s6  }
0xf: {  	[smem:$0x3FB0] =	sst s7  }
0x10: {  	[smem:$0x3FB1] =	sst s8  }
0x11: {  	[smem:$0x3FB2] =	sst s9;
	s0 =	simm.s32 @!p0 $0x0  }
0x12: {  	s1 =	sld [smem:$0x3F98];
	s0 =	simm.s32 @p0 $0x1  }
0x13: {  	[smem:$0x3FB3] =	sst s0;
	s0 =	simm.s32 @!p1 $0x0  }
0x14: {  	s2 =	sld [smem:$0x3F97];
	s0 =	simm.s32 @p1 $0x1  }
0x15: {  	[smem:$0x3FB4] =	sst s0;
	s0 =	simm.s32 @!p2 $0x0  }
0x16: {  	s3 =	sld [smem:$0x3FDB];
	s0 =	simm.s32 @p2 $0x1  }
0x17: {  	s4 =	simm.s32 $0x1BF5;
	[smem:$0x3FB6] =	sst s0  }
0x18: {  	s0 =	sld [smem:$0x3F99];
	_ =	swait.ge [sflag:s4], $0x0  }
0x19: {  	s7 =	sld [smem:$0x3F9A]  }
0x1a: {  	s8 =	sadd.s32 $0xFFFFE003, lr  }
0x1b: {  	s9 =	sadd.s32 $0xFFFFFEF7, lr;
	s5 =	simm.s32 $0xFFFFFFFF;
	p2 =	slt.u32 s8, $0xFFFFF086  }
0x1c: {  	p1 =	slt.u32 s9, $0xF7A;
	s5 =	simm.s32 @!p2 $0x0  }
0x1d: {  	s5 =	simm.s32 @p1 $0x1;
	p0 =	seq.s32 s7, s2  }
0x1e: {  	s7 =	smul.u32 @!p0 $0xF7A, s2;
	p2 =	seq.s32 @!p0 s5, $0x0  }
0x1f: {  	s9 =	smul.u32 $0xF7A, s1;
	s8 =	simm.s32 @!p0 $0x1BF5;
	p2 =	por !p2, p0  }
0x20: {  	[sflag:s8] =	ssyncset.s32 @!p0 $0xFFFFF086;
	s6 =	sadd.s32 @!p0 s3, s7;
	s7 =	simm.s32 @!p0 $0x108  }
0x21: {  	s3 =	sadd.s32 s3, s9;
	s6 =	sadd.s32 @!p0 $0x88, s6;
	s7 =	simm.s32 @p2 $0x1082  }
0x22: {  	[simem:s7], [sflag:s8] =	dma.local @!p0 [hbm:s6], $0xF7A  }
0x23: {  	s9 =	sor.u32 $0xD0000000, s2;
	s6 =	simm.s32 $0x108;
	_ =	swait.ge @!p0 [sflag:s8], $0x0  }
0x24: {  	s3 =	sadd.s32 $0x88, s3;
	s6 =	simm.s32 @!p1 $0x1082;
	[sflag:s4] =	ssyncset.s32 $0xFFFFF086  }
0x25: {  	[simem:s6], [sflag:s4] =	dma.local [hbm:s3], $0xF7A  }
0x26: {  	[smem:$0x3F9A] =	sst s1;
	(tag) =	ssettag s2;
	_ =	strace s9  }
0x27: {  	s1 =	sld [smem:$0x3FAA]  }
0x28: {  	s2 =	sld [smem:$0x3FAB]  }
0x29: {  	s4 =	sld [smem:$0x3FAD]  }
0x2a: {  	p0 =	seq.s32 s5, $0x0;
	s5 =	sld [smem:$0x3FAE]  }
0x2b: {  	s6 =	sld [smem:$0x3FAF]  }
0x2c: {  	s7 =	sld [smem:$0x3FB0]  }
0x2d: {  	s3 =	simm.s32 $0x108;
	s8 =	sld [smem:$0x3FB1]  }
0x2e: {  	s3 =	simm.s32 @!p0 $0x1082;
	s9 =	sld [smem:$0x3FB2]  }
0x2f: {  	lr =	sadd.s32 s0, s3;
	s0 =	sld [smem:$0x3FA9]  }
0x30: {  	s3 =	sld [smem:$0x3FAC]  }
0x31: {  	[smem:$0x3FB5] =	sst s10  }
0x32: {  	s10 =	sld [smem:$0x3FB3];
	_ =	sdelay $0x3  }
0x33: {  	p0 =	seq.s32 s10, $0x1;
	s10 =	sld [smem:$0x3FB5];
	_ =	sdelay $0x3  }
0x34: {  	[smem:$0x3FB5] =	sst s10  }
0x35: {  	s10 =	sld [smem:$0x3FB4];
	_ =	sdelay $0x3  }
0x36: {  	p1 =	seq.s32 s10, $0x1;
	s10 =	sld [smem:$0x3FB5];
	_ =	sdelay $0x3  }
0x37: {  	[smem:$0x3FB5] =	sst s10  }
0x38: {  	s10 =	sld [smem:$0x3FB6]  }
0x39: {  	_ = 	snop;
	(pc) =	sbr.ind lr, $3  }
0x3a: {  	_ = 	snop  }
0x3b: {  	_ = 	snop  }
0x3c: {  	p2 =	seq.s32 s10, $0x1;
	s10 =	sld [smem:$0x3FB5]  }
0x3d: {  	_ =	shalt  }
0x3e: {  	_ =	shalt  }
0x3f: {  	_ =	shalt  }
0x40: {  	_ =	shalt  }
0x41: {  	_ =	shalt  }
0x42: {  	_ =	shalt  }
0x43: {  	_ =	shalt  }
0x44: {  	_ =	shalt  }
0x45: {  	_ =	shalt  }
0x46: {  	_ =	shalt  }
0x47: {  	_ =	shalt  }
0x48: {  	_ =	shalt  }
0x49: {  	_ =	shalt  }
0x4a: {  	_ =	shalt  }
0x4b: {  	_ =	shalt  }
0x4c: {  	_ =	shalt  }
0x4d: {  	_ =	shalt  }
0x4e: {  	_ =	shalt  }
0x4f: {  	_ =	shalt  }
0x50: {  	_ =	shalt  }
0x51: {  	_ =	shalt  }
0x52: {  	_ =	shalt  }
0x53: {  	_ =	shalt  }
0x54: {  	_ =	shalt  }
0x55: {  	_ =	shalt  }
0x56: {  	_ =	shalt  }
0x57: {  	_ =	shalt  }
0x58: {  	_ =	shalt  }
0x59: {  	_ =	shalt  }
0x5a: {  	_ =	shalt  }
0x5b: {  	_ =	shalt  }
0x5c: {  	_ =	shalt  }
0x5d: {  	_ =	shalt  }
0x5e: {  	_ =	shalt  }
0x5f: {  	_ =	shalt  }
0x60: {  	_ =	shalt  }
0x61: {  	_ =	shalt  }
0x62: {  	_ =	shalt  }
0x63: {  	_ =	shalt  }
0x64: {  	_ =	shalt  }
0x65: {  	_ =	shalt  }
0x66: {  	_ =	shalt  }
0x67: {  	_ =	shalt  }
0x68: {  	_ =	shalt  }
0x69: {  	_ =	shalt  }
0x6a: {  	_ =	shalt  }
0x6b: {  	_ =	shalt  }
0x6c: {  	_ =	shalt  }
0x6d: {  	_ =	shalt  }
0x6e: {  	_ =	shalt  }
0x6f: {  	_ =	shalt  }
0x70: {  	_ =	shalt  }
0x71: {  	_ =	shalt  }
0x72: {  	_ =	shalt  }
0x73: {  	_ =	shalt  }
0x74: {  	_ =	shalt  }
0x75: {  	_ =	shalt  }
0x76: {  	_ =	shalt  }
0x77: {  	_ =	shalt  }
0x78: {  	_ =	shalt  }
0x79: {  	_ =	shalt  }
0x7a: {  	_ =	shalt  }
0x7b: {  	_ =	shalt  }
0x7c: {  	_ =	shalt  }
0x7d: {  	_ =	shalt  }
0x7e: {  	_ =	shalt  }
0x7f: {  	_ =	shalt  }
0x80: {  	_ =	shalt  }
0x81: {  	_ =	shalt  }
0x82: {  	_ =	shalt  }
0x83: {  	_ =	shalt  }
0x84: {  	_ =	shalt  }
0x85: {  	_ =	shalt  }
0x86: {  	_ =	shalt  }
0x87: {  	_ =	shalt  }
.Lfunc_end0:
.L_simem_size_0:
called_computation_lowered:
.L_overlay_start_0:
0x88: {  	s2 =	sld [smem:$0x3FD9]  }
0x89: {  	s3 =	sld [smem:$0x3FFE];
	_ =	sdelay $0x1  }
0x8a: {  	s1 =	srdreg.scid  }
0x8b: {  	s0 =	sand.u32 $0x1, s1  }
0x8c: {  	s14 =	sshll.u32 s0, $0xA;
	s2 =	sadd.s32 s3, s2  }
0x8d: {  	s2 =	sadd.s32 s2, s14  }
0x8e: {  	[smem:$0x3FC1] =	sst s2  }
0x8f: {  	_ = 	snop  }
0x90: {  	s2 =	sld [smem:$0x3FD0];
	_ =	sdelay $0x2  }
0x91: {  	s15 =	simm.s32 $0xA;
	s4 =	simm.s32 $0x10  }
0x92: {  	[smem:s4], [sflag:s15] =	dma.local [hbm:s2], $0x1  }
0x93: {  	_ =	swait.eq [sflag:s15], $0x1  }
0x94: {  	[sflag:s15] =	ssyncset.done $0x0  }
0x95: {  	s16 =	sld [smem:$0x10];
	[sflag:s15] =	ssyncadd.s32 $0xFFFFFFFF  }
0x96: {  	s17 =	sld [smem:$0x11];
	(tm) =	ssettm $0x1  }
0x97: {  	s18 =	sld [smem:$0x3FFB];
	_ =	sdelay $0x3  }
0x98: {  	_ =	strace s18  }
0x99: {  	s4 =	sld [smem:$0x3FFC];
	_ =	sdelay $0x3  }
0x9a: {  	_ =	strace s4  }
0x9b: {  	s4 =	sld [smem:$0x3FFD];
	_ =	sdelay $0x3  }
0x9c: {  	_ =	strace s4  }
0x9d: {  	_ =	strace $0x8FFFFFFF  }
0x9e: {  	s19 =	sld [smem:$0x3FDB];
	_ =	sdelay $0x1  }
0x9f: {  	s5 =	simm.s32 $_scs_section_size  }
0xa0: {  	s6 =	simm.s32 $_size__tile_overlayer_lowered;
	s7 =	simm.s32 $_tile_overlayer_lowered  }
0xa1: {  	s22 =	simm.s32 $0x1BFF;
	s21 =	sshll.u32 s7, $0x1;
	s4 =	sadd.s32 s5, s19  }
0xa2: {  	s8 =	simm.s32 $0x0;
	s20 =	sshll.u32 s6, $0x1;
	s6 =	sadd.s32 s21, s4  }
0xa3: {  	[timem:s8], [sflag:s22] =	dma.local [hbm:s6], s20  }
0xa4: {  	_ =	swait.ge [sflag:s22], s20  }
0xa5: {  	s5 =	ssub.s32 $0x0, s20;
	[sflag:s22] =	ssyncset.done $0x0  }
0xa6: {  	[sflag:s22] =	ssyncadd.s32 s5;
	_ =	sdelay $0x1  }
0xa7: {  	s23 =	simm.s32 $0x1B8B  }
0xa8: {  	_ =	swait.ge [sflag:s23], $0x1  }
0xa9: {  	[sflag:s23] =	ssyncset.done $0x0  }
0xaa: {  	s25 =	simm.s32 $0x1B8E;
	s24 =	sld [smem:$0x3FFE];
	[sflag:s23] =	ssyncadd.s32 $0xFFFFFFFF  }
0xab: {  	s26 =	simm.s32 $execute0_lowered;
	[smem:$0x3FD2] =	sst s25  }
0xac: {  	s6 =	sshll.u32 s26, $0x1;
	_ =	strace $0x80000046;
	[dreg:$0x1] =	wrdreg $0xFFFFFFFF  }
0xad: {  	s28 =	simm.s32 $_size_execute0_lowered;
	s4 =	sadd.s32 s4, s6;
	[dreg:$0x0] =	wrdreg $0x0  }
0xae: {  	s6 =	sshll.u32 s28, $0x1;
	[dreg:$0x2] =	wrdreg s4  }
0xaf: {  	[dreg:$0x3] =	wrdreg s6  }
0xb0: {  	[dreg:$0x4] =	wrdreg $0xC0  }
0xb1: {  	_ =	task [dreg:s8], $0x5FFFF  }
0xb2: {  	[dreg:$0x1] =	wrdreg $0xFFFFFFFF  }
0xb3: {  	[dreg:$0x0] =	wrdreg $0x60  }
0xb4: {  	[dreg:$0x2] =	wrdreg s24  }
0xb5: {  	[dreg:$0x3] =	wrdreg s17  }
0xb6: {  	[dreg:$0x4] =	wrdreg s16  }
0xb7: {  	[dreg:$0x5] =	wrdreg $0xBA000  }
0xb8: {  	[dreg:$0x6] =	wrdreg $0x1FA000  }
0xb9: {  	[dreg:$0x7] =	wrdreg $0x9  }
0xba: {  	_ =	task.clear_ibuf [dreg:s8], $0x8FFFF;
	_ =	strace $0x90000046  }
0xbb: {  	s29 =	simm.s32 $0x9;
	_ =	strace $0x80000048  }
0xbc: {  	_ =	swait.ge [sflag:s29], $0x1  }
0xbd: {  	[sflag:s29] =	ssyncadd.s32 $0xFFFFFFFF  }
0xbe: {  	_ =	strace $0x90000048  }
0xbf: {  	_ =	sfence  }
0xc0: {  	s30 =	sld [smem:$0x0];
	_ =	sdelay $0x2  }
0xc1: {  	s31 =	sshll.u32 s1, $0xD;
	s1 =	sshrl.u32 s1, $0x2  }
0xc2: {  	s3 =	sand.u32 $0x4000, s31;
	s1 =	sadd.s32 s1, s30  }
0xc3: {  	s0 =	sor.u32 s3, s0;
	s1 =	sshll.u32 s1, $0x11  }
0xc4: {  	s0 =	sor.u32 s1, s0  }
0xc5: {  	s0 =	sadd.s32 $0x8F2B, s0  }
0xc6: {  	[sflag:s0] =	ssyncadd.remote.s32 $0x1  }
0xc7: {  	_ =	sfence.sel $0xFFFF  }
0xc8: {  	[dreg:$0x0] =	wrdreg $0xFFFFFFFF;
	(pc) =	sbr.abs _section_cstart, $3  }
0xc9: {  	[dreg:$0x1] =	wrdreg $0xFFFFFFFF  }
0xca: {  	_ =	task.clear_ibuf [dreg:s8], $0x2FFFF;
	_ =	strace $0x9FFFFFFF  }
0xcb: {  	(tm) =	ssettm $0x7FFFFFFF  }
tec
execute0_lowered:
.L_overlay_start_1:
0x0: {  	(tag) =	ssettag $0x1  }
0x1: {  	s0 =	rddreg [dreg:$0x0]  }
0x2: {  	s1 =	rddreg [dreg:$0x1]  }
0x3: {  	s2 =	rddreg [dreg:$0x2]  }
0x4: {  	s3 =	rddreg [dreg:$0x3]  }
0x5: {  	s4 =	rddreg [dreg:$0x4]  }
0x6: {  	s6 =	srdreg.scid;
	s15 =	stileid.u32;
	s5 =	simm.s32 $0x0  }
0x7: {  	s28 =	simm.s32 $0x4;
	s29 =	simm.s32 $0x50;
	s30 =	simm.s32 $0x4180  }
0x8: {  	s31 =	simm.s32 $0x5;
	s7 =	sand.u32 $0x1, s6;
	s8 =	smul.u32 $0x280, s15  }
0x9: {  	[smem:$0x7FF] =	sst s5;
	s6 =	sadd.s32 $0xC00, s0;
	s19 =	smul.u32 $0x2710, s15  }
0xa: {  	s10 =	sadd.s32 $0x28000, s0;
	s12 =	sadd.s32 $0x27E00, s0;
	s9 =	smul.u32 $0x2800, s7  }
0xb: {  	_ =	strace $0x80000047;
	[dreg:$0x7] =	wrdreg s12;
	s12 =	smul.u32 $0x50000, s15  }
0xc: {  	s14 =	sshll.u32 s7, $0x4;
	s11 =	ssub.s32 $0x2, s7;
	s7 =	smul.u32 $0x27100, s7  }
0xd: {  	[dreg:$0x6] =	wrdreg s10;
	s9 =	sadd.s32 s8, s9;
	s16 =	sshrl.u32 s12, $0x2  }
0xe: {  	s8 =	sadd.s32 s8, s4;
	s24 =	sadd.s32 s19, s7;
	s13 =	sshll.u32 s9, $0x4  }
0xf: {  	s9 =	sshrl.u32 s9, $0x3;
	[dreg:$0xa] =	wrdreg s8;
	s26 =	sadd.s32 $0x190, s24  }
0x10: {  	s7 =	sadd.s32 $0x140, s24;
	s10 =	sadd.s32 s13, s0;
	s0 =	sadd.s32 s9, s0  }
0x11: {  	s9 =	sor.u32 s15, s14;
	s13 =	sshrl.u32 s11, $0x1;
	s7 =	sshrl.u32 s7, $0x3  }
0x12: {  	s14 =	sshll.u32 s9, $0xB;
	s9 =	smul.u32 $0x2710, s9;
	s22 =	sadd.s32 $0x2B200, s10  }
0x13: {  	s11 =	ssub.s32 s11, s13;
	s0 =	sadd.s32 $0x2A800, s0;
	[dreg:$0xe] =	wrdreg s22  }
0x14: {  	s12 =	sadd.s32 s7, s1;
	s2 =	sadd.s32 s2, s14;
	[dreg:$0xf] =	wrdreg s0  }
0x15: {  	s7 =	simm.s32 $0x1;
	s23 =	smax.u32 s11, $0x1;
	[dreg:$0x8] =	wrdreg s2  }
0x16: {  	s10 =	simm.s32 $0x2;
	s0 =	sadd.s32 $0xF0, s24;
	[dreg:$0x10] =	wrdreg s23  }
0x17: {  	s2 =	sadd.s32 s16, s3;
	s17 =	sshrl.u32 s9, $0x3;
	[dreg:$0x14] =	wrdreg s0  }
0x18: {  	s24 =	simm.s32 $0x4000;
	[dreg:$0x9] =	wrdreg s2;
	s18 =	sadd.s32 s1, s17  }
0x19: {  	s11 =	simm.s32 $0x3;
	s20 =	sadd.s32 $0xA, s18;
	[dreg:$0xb] =	wrdreg s18  }
0x1a: {  	s23 =	simm.s32 $0x7;
	s21 =	sadd.s32 $0x14, s18;
	[dreg:$0xc] =	wrdreg s20  }
0x1b: {  	s0 =	simm.s32 $0x6980;
	s25 =	sadd.s32 $0x4CE, s18;
	[dreg:$0xd] =	wrdreg s21  }
0x1c: {  	s2 =	sshrl.u32 s26, $0x3;
	s8 =	sadd.s32 $0x4D8, s18;
	[dreg:$0x11] =	wrdreg s25  }
0x1d: {  	s9 =	simm.s32 $0xB980;
	s2 =	sadd.s32 s2, s1;
	[dreg:$0x12] =	wrdreg s8  }
0x1e: {  	s26 =	simm.s32 $0x4100;
	s18 =	simm.s32 $0x0;
	[dreg:$0x13] =	wrdreg s2  }
0x1f: {  	v0 =	vimm.f32 $1.000000000e+00;
	s25 =	simm.s32 $0x4080;
	s2 =	simm.s32 $0x6;
	s8 =	simm.s32 $0x9180  }
.LBB2_1:
0x20: {  	s13 =	rddreg [dreg:$0x8]  }
0x21: {  	[tilespmem:s5], [sflag:$0x7] =	stream.linear.gather [hbm4b:s13+s5], $0x3E80, $0x38;
	[tilespmem:$0x1FC80] =	vst v63  }
0x22: {  	_ =	swait.ge [sflag:s23], $0x3E80  }
0x23: {  	[sflag:s23] =	ssyncset.done $0x0  }
0x24: {  	[sflag:s23] =	ssyncadd.s32 $0xFFFFC180  }
0x25: {  	[tilespmem:$0xB980] =	vst v0  }
0x26: {  	[tilespmem:$0xB990] =	vst v0  }
0x27: {  	s16 =	stileid.u32;
	[tilespmem:$0xB9A0] =	vst v0  }
0x28: {  	s13 =	sshll.u32 s16, $0x6;
	s17 =	rddreg [dreg:$0x9];
	[tilespmem:$0xB9B0] =	vst v0  }
0x29: {  	s19 =	sor.u32 $0x1C07, s13;
	s14 =	rddreg [dreg:$0x6];
	s13 =	sshrl.u32 s17, $0x3;
	[tilespmem:$0xB9C0] =	vst v0  }
0x2a: {  	[spmem:s13], [sflag:s19] =	dma.local [hbm:s14], $0x2800  }
0x2b: {  	_ =	swait.ge [sflag:s23], $0x2800  }
0x2c: {  	[sflag:s23] =	ssyncset.done $0x0;
	s20 =	rddreg [dreg:$0xa]  }
0x2d: {  	s15 =	rddreg [dreg:$0x7];
	[sflag:s23] =	ssyncadd.s32 $0xFFFFD800;
	s14 =	sshrl.u32 s20, $0x3  }
0x2e: {  	[spmem:s14], [sflag:s19] =	dma.local [hbm:s15], $0x50  }
0x2f: {  	_ =	swait.ge [sflag:s23], $0x50  }
0x30: {  	[sflag:s23] =	ssyncset.done $0x0  }
0x31: {  	[sflag:s23] =	ssyncadd.s32 $0xFFFFFFB0  }
0x32: {  	[bflag:$0x0] =	sbarrier.arrive $0xFFFF  }
0x33: {  	s21 =	rddreg [dreg:$0xb]  }
0x34: {  	[tilespmem:s24], [sflag:$0x4] =	stream.linear.gather [hbm4b:s21+s5], $0x50, $0x38;
	[tilespmem:$0x1FC80] =	vst v63  }
0x35: {  	s22 =	rddreg [dreg:$0xc]  }
0x36: {  	[tilespmem:s25], [sflag:$0x5] =	stream.linear.gather [hbm4b:s22+s5], $0x50, $0x38;
	[tilespmem:$0x1FC80] =	vst v63  }
0x37: {  	s16 =	rddreg [dreg:$0xd]  }
0x38: {  	[tilespmem:s26], [sflag:$0x6] =	stream.linear.gather [hbm4b:s16+s5], $0x50, $0x38;
	[tilespmem:$0x1FC80] =	vst v63  }
0x39: {  	_ =	swait.ge [sflag:s28], $0x50  }
0x3a: {  	[sflag:s28] =	ssyncset.done $0x0  }
0x3b: {  	[sflag:s28] =	ssyncadd.s32 $0xFFFFFFB0  }
0x3c: {  	[tilespmem:s30], [sflag:$0x1] =	stream.indirect.gather [hbm4b:s6+s29], $0x80, s24, s29, $0xb8;
	[tilespmem:$0x1FC80] =	vst v63  }
0x3d: {  	_ =	swait.ge [sflag:s31], $0x50  }
0x3e: {  	[sflag:s31] =	ssyncset.done $0x0  }
0x3f: {  	[sflag:s31] =	ssyncadd.s32 $0xFFFFFFB0  }
0x40: {  	[tilespmem:s0], [sflag:$0x2] =	stream.indirect.gather [hbm4b:s6+s29], $0x80, s25, s29, $0xb8;
	[tilespmem:$0x1FC80] =	vst v63  }
0x41: {  	_ =	swait.ge [sflag:s2], $0x50  }
0x42: {  	[sflag:s2] =	ssyncset.done $0x0  }
0x43: {  	[sflag:s2] =	ssyncadd.s32 $0xFFFFFFB0  }
0x44: {  	_ =	swait.ge [sflag:s7], $0x2800  }
0x45: {  	[sflag:s7] =	ssyncset.done $0x0;
	s16 =	rddreg [dreg:$0x14]  }
0x46: {  	[sflag:s7] =	ssyncadd.s32 $0xFFFFD800;
	s17 =	sshrl.u32 s16, $0x3  }
0x47: {  	[tilespmem:s8], [sflag:$0x3] =	stream.indirect.gather [hbm4b:s6+s29], $0x80, s26, s29, $0xb8;
	[tilespmem:$0x1FC80] =	vst v63  }
0x48: {  	s15 =	sadd.s32 s1, s17  }
0x49: {  	[tilespmem:s24], [sflag:$0x4] =	stream.linear.gather [hbm4b:s15+s5], $0x50, $0x38;
	[tilespmem:$0x1FC80] =	vst v63  }
0x4a: {  	s20 =	simm.s32 $0x0  }
0x4b: {  	[spmem:s3] =	stream.indirect.scatter.add.f32 [tilespmem:s30], [sflag:$0x7], $0x80, s20, s29, $0xb8;
	[tilespmem:$0x1FC80] =	vst v63  }
0x4c: {  	_ =	swait.ge [sflag:s23], $0x2800  }
0x4d: {  	[sflag:s23] =	ssyncset.done $0x0  }
0x4e: {  	[sflag:s23] =	ssyncadd.s32 $0xFFFFD800  }
0x4f: {  	[spmem:s4] =	stream.indirect.scatter.add.f32 [tilespmem:s9], [sflag:$0x7], $0x1, s20, s29, $0xb8;
	[tilespmem:$0x1FC80] =	vst v63  }
0x50: {  	_ =	swait.ge [sflag:s23], $0x50  }
0x51: {  	[sflag:s23] =	ssyncset.done $0x0  }
0x52: {  	[sflag:s23] =	ssyncadd.s32 $0xFFFFFFB0  }
0x53: {  	_ =	swait.ge [sflag:s28], $0x50  }
0x54: {  	[sflag:s28] =	ssyncset.done $0x0  }
0x55: {  	[sflag:s28] =	ssyncadd.s32 $0xFFFFFFB0  }
0x56: {  	_ =	swait.ge [sflag:s10], $0x2800  }
0x57: {  	[sflag:s10] =	ssyncset.done $0x0  }
0x58: {  	[sflag:s10] =	ssyncadd.s32 $0xFFFFD800  }
0x59: {  	[tilespmem:s30], [sflag:$0x1] =	stream.indirect.gather [hbm4b:s6+s29], $0x80, s24, s29, $0xb8;
	[tilespmem:$0x1FC80] =	vst v63  }
0x5a: {  	_ = 	snop  }
0x5b: {  	[tilespmem:s25], [sflag:$0x5] =	stream.linear.gather [hbm4b:s12+s5], $0x50, $0x38;
	[tilespmem:$0x1FC80] =	vst v63  }
0x5c: {  	s21 =	simm.s32 $0x80  }
0x5d: {  	[spmem:s3] =	stream.indirect.scatter.add.f32 [tilespmem:s0], [sflag:$0x7], $0x80, s21, s29, $0xb8;
	[tilespmem:$0x1FC80] =	vst v63  }
0x5e: {  	_ =	swait.ge [sflag:s23], $0x2800  }
0x5f: {  	[sflag:s23] =	ssyncset.done $0x0  }
0x60: {  	[sflag:s23] =	ssyncadd.s32 $0xFFFFD800  }
0x61: {  	[spmem:s4] =	stream.indirect.scatter.add.f32 [tilespmem:s9], [sflag:$0x7], $0x1, s21, s29, $0xb8;
	[tilespmem:$0x1FC80] =	vst v63  }
0x62: {  	_ =	swait.ge [sflag:s23], $0x50  }
0x63: {  	[sflag:s23] =	ssyncset.done $0x0  }
0x64: {  	[sflag:s23] =	ssyncadd.s32 $0xFFFFFFB0  }
0x65: {  	_ =	swait.ge [sflag:s31], $0x50  }
0x66: {  	[sflag:s31] =	ssyncset.done $0x0  }
0x67: {  	[sflag:s31] =	ssyncadd.s32 $0xFFFFFFB0  }
0x68: {  	_ =	swait.ge [sflag:s11], $0x2800  }
0x69: {  	[sflag:s11] =	ssyncset.done $0x0  }
0x6a: {  	[sflag:s11] =	ssyncadd.s32 $0xFFFFD800  }
0x6b: {  	[tilespmem:s0], [sflag:$0x2] =	stream.indirect.gather [hbm4b:s6+s29], $0x80, s25, s29, $0xb8;
	[tilespmem:$0x1FC80] =	vst v63  }
0x6c: {  	s20 =	rddreg [dreg:$0x13]  }
0x6d: {  	[tilespmem:s26], [sflag:$0x6] =	stream.linear.gather [hbm4b:s20+s5], $0x50, $0x38;
	[tilespmem:$0x1FC80] =	vst v63  }
0x6e: {  	s22 =	simm.s32 $0x100  }
0x6f: {  	[spmem:s3] =	stream.indirect.scatter.add.f32 [tilespmem:s8], [sflag:$0x7], $0x80, s22, s29, $0xb8;
	[tilespmem:$0x1FC80] =	vst v63  }
0x70: {  	_ =	swait.ge [sflag:s23], $0x2800  }
0x71: {  	[sflag:s23] =	ssyncset.done $0x0  }
0x72: {  	[sflag:s23] =	ssyncadd.s32 $0xFFFFD800  }
0x73: {  	[spmem:s4] =	stream.indirect.scatter.add.f32 [tilespmem:s9], [sflag:$0x7], $0x1, s22, s29, $0xb8;
	[tilespmem:$0x1FC80] =	vst v63  }
0x74: {  	s16 =	sadd.s32 $0xF0, s16;
	_ =	swait.ge [sflag:s23], $0x50  }
0x75: {  	s15 =	simm.s32 $0x600;
	s21 =	smov.u32 s12;
	[sflag:s23] =	ssyncset.done $0x0  }
.LBB2_2:
0x76: {  	[sflag:s23] =	ssyncadd.s32 $0xFFFFFFB0  }
0x77: {  	s20 =	sadd.s32 $0x1E, s20;
	s21 =	sadd.s32 $0x1E, s21;
	s22 =	smov.u32 s15  }
0x78: {  	p0 =	sne.s32 s15, $0xEA00;
	s15 =	sadd.s32 $0x600, s15;
	_ =	swait.ge [sflag:s2], $0x50  }
0x79: {  	[sflag:s2] =	ssyncset.done $0x0  }
0x7a: {  	[sflag:s2] =	ssyncadd.s32 $0xFFFFFFB0  }
0x7b: {  	_ =	swait.ge [sflag:s7], $0x2800  }
0x7c: {  	[sflag:s7] =	ssyncset.done $0x0  }
0x7d: {  	s17 =	sshrl.u32 s16, $0x3;
	[sflag:s7] =	ssyncadd.s32 $0xFFFFD800  }
0x7e: {  	[tilespmem:s8], [sflag:$0x3] =	stream.indirect.gather [hbm4b:s6+s29], $0x80, s26, s29, $0xb8;
	[tilespmem:$0x1FC80] =	vst v63  }
0x7f: {  	s17 =	sadd.s32 s1, s17  }
0x80: {  	[tilespmem:s24], [sflag:$0x4] =	stream.linear.gather [hbm4b:s17+s5], $0x50, $0x38;
	[tilespmem:$0x1FC80] =	vst v63  }
0x81: {  	s22 =	sshra.s32 s22, $0x2  }
0x82: {  	[spmem:s3] =	stream.indirect.scatter.add.f32 [tilespmem:s30], [sflag:$0x7], $0x80, s22, s29, $0xb8;
	[tilespmem:$0x1FC80] =	vst v63  }
0x83: {  	_ =	swait.ge [sflag:s23], $0x2800  }
0x84: {  	[sflag:s23] =	ssyncset.done $0x0  }
0x85: {  	[sflag:s23] =	ssyncadd.s32 $0xFFFFD800  }
0x86: {  	[spmem:s4] =	stream.indirect.scatter.add.f32 [tilespmem:s9], [sflag:$0x7], $0x1, s22, s29, $0xb8;
	[tilespmem:$0x1FC80] =	vst v63  }
0x87: {  	_ =	swait.ge [sflag:s23], $0x50  }
0x88: {  	[sflag:s23] =	ssyncset.done $0x0  }
0x89: {  	[sflag:s23] =	ssyncadd.s32 $0xFFFFFFB0  }
0x8a: {  	_ =	swait.ge [sflag:s28], $0x50  }
0x8b: {  	[sflag:s28] =	ssyncset.done $0x0  }
0x8c: {  	[sflag:s28] =	ssyncadd.s32 $0xFFFFFFB0  }
0x8d: {  	_ =	swait.ge [sflag:s10], $0x2800  }
0x8e: {  	[sflag:s10] =	ssyncset.done $0x0  }
0x8f: {  	[sflag:s10] =	ssyncadd.s32 $0xFFFFD800  }
0x90: {  	[tilespmem:s30], [sflag:$0x1] =	stream.indirect.gather [hbm4b:s6+s29], $0x80, s24, s29, $0xb8;
	[tilespmem:$0x1FC80] =	vst v63  }
0x91: {  	_ = 	snop  }
0x92: {  	[tilespmem:s25], [sflag:$0x5] =	stream.linear.gather [hbm4b:s21+s5], $0x50, $0x38;
	[tilespmem:$0x1FC80] =	vst v63  }
0x93: {  	s17 =	sadd.s32 $0x80, s22  }
0x94: {  	[spmem:s3] =	stream.indirect.scatter.add.f32 [tilespmem:s0], [sflag:$0x7], $0x80, s17, s29, $0xb8;
	[tilespmem:$0x1FC80] =	vst v63  }
0x95: {  	_ =	swait.ge [sflag:s23], $0x2800  }
0x96: {  	[sflag:s23] =	ssyncset.done $0x0  }
0x97: {  	[sflag:s23] =	ssyncadd.s32 $0xFFFFD800  }
0x98: {  	[spmem:s4] =	stream.indirect.scatter.add.f32 [tilespmem:s9], [sflag:$0x7], $0x1, s17, s29, $0xb8;
	[tilespmem:$0x1FC80] =	vst v63  }
0x99: {  	_ =	swait.ge [sflag:s23], $0x50  }
0x9a: {  	[sflag:s23] =	ssyncset.done $0x0  }
0x9b: {  	[sflag:s23] =	ssyncadd.s32 $0xFFFFFFB0  }
0x9c: {  	_ =	swait.ge [sflag:s31], $0x50  }
0x9d: {  	[sflag:s31] =	ssyncset.done $0x0  }
0x9e: {  	[sflag:s31] =	ssyncadd.s32 $0xFFFFFFB0  }
0x9f: {  	_ =	swait.ge [sflag:s11], $0x2800  }
0xa0: {  	[sflag:s11] =	ssyncset.done $0x0  }
0xa1: {  	[sflag:s11] =	ssyncadd.s32 $0xFFFFD800  }
0xa2: {  	[tilespmem:s0], [sflag:$0x2] =	stream.indirect.gather [hbm4b:s6+s29], $0x80, s25, s29, $0xb8;
	[tilespmem:$0x1FC80] =	vst v63  }
0xa3: {  	_ = 	snop  }
0xa4: {  	[tilespmem:s26], [sflag:$0x6] =	stream.linear.gather [hbm4b:s20+s5], $0x50, $0x38;
	[tilespmem:$0x1FC80] =	vst v63  }
0xa5: {  	s17 =	sadd.s32 $0x100, s22  }
0xa6: {  	[spmem:s3] =	stream.indirect.scatter.add.f32 [tilespmem:s8], [sflag:$0x7], $0x80, s17, s29, $0xb8;
	[tilespmem:$0x1FC80] =	vst v63  }
0xa7: {  	_ =	swait.ge [sflag:s23], $0x2800  }
.Ltmp0:
0xa8: {  	[sflag:s23] =	ssyncset.done $0x0;
	(pc) =	sbr.rel @p0 .LBB2_2-.Ltmp0, $4  }
0xa9: {  	[sflag:s23] =	ssyncadd.s32 $0xFFFFD800  }
0xaa: {  	[spmem:s4] =	stream.indirect.scatter.add.f32 [tilespmem:s9], [sflag:$0x7], $0x1, s17, s29, $0xb8;
	[tilespmem:$0x1FC80] =	vst v63  }
0xab: {  	_ =	swait.ge [sflag:s23], $0x50  }
0xac: {  	s16 =	sadd.s32 $0xF0, s16;
	[sflag:s23] =	ssyncset.done $0x0  }
0xad: {  	[sflag:s23] =	ssyncadd.s32 $0xFFFFFFB0  }
0xae: {  	_ =	swait.ge [sflag:s2], $0x50  }
0xaf: {  	[sflag:s2] =	ssyncset.done $0x0  }
0xb0: {  	[sflag:s2] =	ssyncadd.s32 $0xFFFFFFB0  }
0xb1: {  	_ =	swait.ge [sflag:s7], $0x2800  }
0xb2: {  	[sflag:s7] =	ssyncset.done $0x0  }
0xb3: {  	[sflag:s7] =	ssyncadd.s32 $0xFFFFD800  }
0xb4: {  	[tilespmem:s8], [sflag:$0x3] =	stream.indirect.gather [hbm4b:s6+s29], $0x80, s26, s29, $0xb8;
	[tilespmem:$0x1FC80] =	vst v63  }
0xb5: {  	s15 =	rddreg [dreg:$0x11]  }
0xb6: {  	[tilespmem:s24], [sflag:$0x4] =	stream.linear.gather [hbm4b:s15+s5], $0x50, $0x38;
	[tilespmem:$0x1FC80] =	vst v63  }
0xb7: {  	s17 =	simm.s32 $0x3C00  }
0xb8: {  	[spmem:s3] =	stream.indirect.scatter.add.f32 [tilespmem:s30], [sflag:$0x7], $0x80, s17, s29, $0xb8;
	[tilespmem:$0x1FC80] =	vst v63  }
0xb9: {  	_ =	swait.ge [sflag:s23], $0x2800  }
0xba: {  	[sflag:s23] =	ssyncset.done $0x0  }
0xbb: {  	[sflag:s23] =	ssyncadd.s32 $0xFFFFD800  }
0xbc: {  	[spmem:s4] =	stream.indirect.scatter.add.f32 [tilespmem:s9], [sflag:$0x7], $0x1, s17, s29, $0xb8;
	[tilespmem:$0x1FC80] =	vst v63  }
0xbd: {  	_ =	swait.ge [sflag:s23], $0x50  }
0xbe: {  	[sflag:s23] =	ssyncset.done $0x0  }
0xbf: {  	[sflag:s23] =	ssyncadd.s32 $0xFFFFFFB0  }
0xc0: {  	_ =	swait.ge [sflag:s28], $0x50  }
0xc1: {  	[sflag:s28] =	ssyncset.done $0x0  }
0xc2: {  	[sflag:s28] =	ssyncadd.s32 $0xFFFFFFB0  }
0xc3: {  	_ =	swait.ge [sflag:s10], $0x2800  }
0xc4: {  	[sflag:s10] =	ssyncset.done $0x0  }
0xc5: {  	[sflag:s10] =	ssyncadd.s32 $0xFFFFD800  }
0xc6: {  	[tilespmem:s30], [sflag:$0x1] =	stream.indirect.gather [hbm4b:s6+s29], $0x80, s24, s29, $0xb8;
	[tilespmem:$0x1FC80] =	vst v63  }
0xc7: {  	s20 =	rddreg [dreg:$0x12]  }
0xc8: {  	[tilespmem:s25], [sflag:$0x5] =	stream.linear.gather [hbm4b:s20+s5], $0x50, $0x38;
	[tilespmem:$0x1FC80] =	vst v63  }
0xc9: {  	s21 =	simm.s32 $0x3C80  }
0xca: {  	[spmem:s3] =	stream.indirect.scatter.add.f32 [tilespmem:s0], [sflag:$0x7], $0x80, s21, s29, $0xb8;
	[tilespmem:$0x1FC80] =	vst v63  }
0xcb: {  	_ =	swait.ge [sflag:s23], $0x2800  }
0xcc: {  	[sflag:s23] =	ssyncset.done $0x0  }
0xcd: {  	[sflag:s23] =	ssyncadd.s32 $0xFFFFD800  }
0xce: {  	[spmem:s4] =	stream.indirect.scatter.add.f32 [tilespmem:s9], [sflag:$0x7], $0x1, s21, s29, $0xb8;
	[tilespmem:$0x1FC80] =	vst v63  }
0xcf: {  	_ =	swait.ge [sflag:s23], $0x50  }
0xd0: {  	[sflag:s23] =	ssyncset.done $0x0  }
0xd1: {  	[sflag:s23] =	ssyncadd.s32 $0xFFFFFFB0  }
0xd2: {  	_ =	swait.ge [sflag:s31], $0x50  }
0xd3: {  	[sflag:s31] =	ssyncset.done $0x0  }
0xd4: {  	[sflag:s31] =	ssyncadd.s32 $0xFFFFFFB0  }
0xd5: {  	_ =	swait.ge [sflag:s11], $0x2800  }
0xd6: {  	[sflag:s11] =	ssyncset.done $0x0  }
0xd7: {  	[sflag:s11] =	ssyncadd.s32 $0xFFFFD800  }
0xd8: {  	[tilespmem:s0], [sflag:$0x2] =	stream.indirect.gather [hbm4b:s6+s29], $0x80, s25, s29, $0xb8;
	[tilespmem:$0x1FC80] =	vst v63  }
0xd9: {  	s22 =	simm.s32 $0x3D00  }
0xda: {  	[spmem:s3] =	stream.indirect.scatter.add.f32 [tilespmem:s8], [sflag:$0x7], $0x80, s22, s29, $0xb8;
	[tilespmem:$0x1FC80] =	vst v63  }
0xdb: {  	_ =	swait.ge [sflag:s23], $0x2800  }
0xdc: {  	[sflag:s23] =	ssyncset.done $0x0  }
0xdd: {  	[sflag:s23] =	ssyncadd.s32 $0xFFFFD800  }
0xde: {  	[spmem:s4] =	stream.indirect.scatter.add.f32 [tilespmem:s9], [sflag:$0x7], $0x1, s22, s29, $0xb8;
	[tilespmem:$0x1FC80] =	vst v63  }
0xdf: {  	_ =	swait.ge [sflag:s23], $0x50  }
0xe0: {  	[sflag:s23] =	ssyncset.done $0x0  }
0xe1: {  	[sflag:s23] =	ssyncadd.s32 $0xFFFFFFB0  }
0xe2: {  	_ =	swait.ge [sflag:s7], $0x2800  }
0xe3: {  	[sflag:s7] =	ssyncset.done $0x0  }
0xe4: {  	s16 =	simm.s32 $0x3D80;
	[sflag:s7] =	ssyncadd.s32 $0xFFFFD800  }
0xe5: {  	[spmem:s3] =	stream.indirect.scatter.add.f32 [tilespmem:s30], [sflag:$0x7], $0x80, s16, s29, $0xb8;
	[tilespmem:$0x1FC80] =	vst v63  }
0xe6: {  	_ =	swait.ge [sflag:s23], $0x2800  }
0xe7: {  	[sflag:s23] =	ssyncset.done $0x0  }
0xe8: {  	[sflag:s23] =	ssyncadd.s32 $0xFFFFD800  }
0xe9: {  	[spmem:s4] =	stream.indirect.scatter.add.f32 [tilespmem:s9], [sflag:$0x7], $0x1, s16, s29, $0xb8;
	[tilespmem:$0x1FC80] =	vst v63  }
0xea: {  	_ =	swait.ge [sflag:s23], $0x50  }
0xeb: {  	[sflag:s23] =	ssyncset.done $0x0  }
0xec: {  	[sflag:s23] =	ssyncadd.s32 $0xFFFFFFB0  }
0xed: {  	_ =	swait.ge [sflag:s10], $0x2800  }
0xee: {  	[sflag:s10] =	ssyncset.done $0x0  }
0xef: {  	s17 =	simm.s32 $0x3E00;
	[sflag:s10] =	ssyncadd.s32 $0xFFFFD800  }
0xf0: {  	[spmem:s3] =	stream.indirect.scatter.add.f32 [tilespmem:s0], [sflag:$0x7], $0x80, s17, s29, $0xb8;
	[tilespmem:$0x1FC80] =	vst v63  }
0xf1: {  	_ =	swait.ge [sflag:s23], $0x2800  }
0xf2: {  	[sflag:s23] =	ssyncset.done $0x0  }
0xf3: {  	[sflag:s23] =	ssyncadd.s32 $0xFFFFD800  }
0xf4: {  	[spmem:s4] =	stream.indirect.scatter.add.f32 [tilespmem:s9], [sflag:$0x7], $0x1, s17, s29, $0xb8;
	[tilespmem:$0x1FC80] =	vst v63  }
0xf5: {  	_ =	swait.ge [sflag:s23], $0x50  }
0xf6: {  	[sflag:s23] =	ssyncset.done $0x0  }
0xf7: {  	[sflag:s23] =	ssyncadd.s32 $0xFFFFFFB0  }
0xf8: {  	[bflag:$0x0] =	sbarrier.arrive $0xFFFF  }
0xf9: {  	s20 =	rddreg [dreg:$0xe]  }
0xfa: {  	[hbm:s20], [sflag:s19] =	dma.local [spmem:s13], $0x2800  }
0xfb: {  	_ =	swait.ge [sflag:s23], $0x2800  }
0xfc: {  	[sflag:s23] =	ssyncset.done $0x0  }
0xfd: {  	s21 =	rddreg [dreg:$0xf];
	[sflag:s23] =	ssyncadd.s32 $0xFFFFD800  }
0xfe: {  	[hbm:s21], [sflag:s19] =	dma.local [spmem:s14], $0x50  }
0xff: {  	_ =	swait.ge [sflag:s23], $0x50  }
0x100: {  	s18 =	sadd.s32 $0x1, s18;
	s22 =	rddreg [dreg:$0x10]  }
0x101: {  	p0 =	sne.s32 s18, s22  }
.Ltmp1:
0x102: {  	_ = 	snop;
	(pc) =	sbr.rel @p0 .LBB2_1-.Ltmp1, $3  }
0x103: {  	_ =	sdelay $0x1  }
0x104: {  	[sflag:s23] =	ssyncset.done $0x0  }
0x105: {  	[sflag:s23] =	ssyncadd.s32 $0xFFFFFFB0  }
0x106: {  	_ =	sfence.sel $0x180000  }
0x107: {  	[bflag:$0x0] =	sbarrier.arrive $0xFFFF  }
0x108: {  	_ =	strace $0x90000047  }
0x109: {  	s0 =	stileid.u32;
	[bflag:$0x2] =	sbarrier.arrive $0xFFFF  }
0x10a: {  	p0 =	sne.s32 s0, $0x0;
	s0 =	rddreg [dreg:$0x5]  }
0x10b: {  	s0 =	sadd.s32 @!p0 $0x100000, s0  }
0x10c: {  	[sflag:s0] =	ssyncadd.tile.s32 @!p0 $0x1;
	_ =	shalt  }
.Lfunc_end2:
_tile_overlayer_lowered:
.L_overlay_start_2:
0x10d: {  	(tag) =	ssettag $0x2  }
0x10e: {  	s0 =	rddreg [dreg:$0x0];
	s2 =	stileid.u32  }
0x10f: {  	s1 =	rddreg [dreg:$0x1];
	p0 =	sne.s32 s2, $0x0  }
0x110: {  	s3 =	rddreg [dreg:$0x2];
	[bflag:$0x3] =	sbarrier.arrive $0xFFFF;
	s2 =	simm.s32 @!p0 $0x1C07  }
0x111: {  	[timem:s3], [sflag:s2] =	dma.local @!p0 [hbm:s0], s1  }
0x112: {  	s0 =	simm.s32 @!p0 $0x7  }
0x113: {  	_ =	swait.ge @!p0 [sflag:s0], s1  }
0x114: {  	s1 =	ssub.s32 @!p0 $0x0, s1;
	[sflag:s0] =	ssyncset.done @!p0 $0x0  }
0x115: {  	[sflag:s0] =	ssyncadd.s32 @!p0 s1  }
0x116: {  	[bflag:$0x3] =	sbarrier.arrive $0xFFFF  }
0x117: {  	_ =	shalt  }

</sc_bundles>
